<compile_context>
chip_gen: v7x
topology: tpu7x:2x2x1
jax: 0.10.2.dev20260603
libtpu: 0.0.44.dev20260713+nightly
codegen_flags: <defaults>
</compile_context>

<pallas_src>
import functools

import jax
import jax.numpy as jnp
from jax import lax
from jax.experimental import pallas as pl
from jax.experimental.pallas import tpu as pltpu
from jax.experimental.pallas import tpu_sc as plsc

NC, NS, L = 2, 16, 16
B = 16
K = 500
KP = 512
NCHUNK = KP // L
HW = 128 * 128
NACC = 4


def _tec_body(tag1_hbm, tag2_hbm, cat_hbm, out_hbm,
              tag_a, ind_v, mask_v, posv, mfv, tmine, tother, mcomp,
              row_v, shared, sem, sem2):
    c = lax.axis_index("c")
    s = lax.axis_index("s")
    b = c * (B // NC) + (s >> 1)
    h = s & 1
    iota = lax.iota(jnp.int32, L)

    bk = b * K
    woff = jnp.minimum(bk & ~7, B * K - KP)
    shift = bk - woff
    mask_off = pl.multiple_of(2 * (B * K) + woff, 8)
    pltpu.async_copy(cat_hbm.at[pl.ds(mask_off, KP)], mask_v, sem)
    for sid in range(NS):

        @pl.when(s == sid)
        def _(sid=sid):
            if sid % 2 == 0:
                pltpu.async_copy(tag1_hbm.at[b, 0], tag_a, sem2)
                pltpu.async_copy(
                    cat_hbm.at[pl.ds(pl.multiple_of(woff, 8), KP)],
                    ind_v, sem)
            else:
                pltpu.async_copy(tag2_hbm.at[b, 0], tag_a, sem2)
                pltpu.async_copy(
                    cat_hbm.at[pl.ds(pl.multiple_of(B * K + woff, 8), KP)],
                    ind_v, sem)

    pltpu.make_async_copy(cat_hbm.at[pl.ds(mask_off, KP)], mask_v,
                          sem).wait()
    pltpu.make_async_copy(cat_hbm.at[pl.ds(mask_off, KP)], ind_v,
                          sem).wait()

    kmax = shift + (K - 1)

    def mask_body(jc, offset):
        slot = jc * L + iota
        plsc.store_scatter(
            mcomp, [slot], 2.0e6 + 2.0 * slot.astype(jnp.float32))
        kidx = jnp.minimum(jnp.full((L,), shift, jnp.int32) + slot, kmax)
        m = plsc.load_gather(mask_v, [kidx])
        mb = (m > 0) & (slot < K)
        m = jnp.where(mb, m, 0)
        plsc.store_scatter(mfv, [slot], m.astype(jnp.float32))
        pos = offset + lax.cumsum(m, axis=0) - 1
        plsc.store_scatter(posv, [slot], jnp.where(mb, pos, KP + iota))
        return offset + jnp.sum(m)

    n = lax.fori_loop(0, NCHUNK, mask_body, jnp.int32(0))

    pltpu.make_async_copy(tag1_hbm.at[b, 0], tag_a, sem2).wait()

    def gather_body(jc, carry):
        slot = jc * L + iota
        kidx = jnp.minimum(jnp.full((L,), shift, jnp.int32) + slot, kmax)
        ii = plsc.load_gather(ind_v, [kidx])
        plsc.store_scatter(
            tmine, [slot], plsc.load_gather(tag_a, [ii >> 7, ii & 127]))
        return carry

    lax.fori_loop(0, NCHUNK, gather_body, jnp.int32(0))
    pltpu.sync_copy(tmine, shared.at[s])
    plsc.subcore_barrier()
    pltpu.sync_copy(shared.at[s ^ 1], tother)

    def combine_body(jc, psum):
        slot = jc * L + iota
        t0 = plsc.load_gather(tmine, [slot])
        t1 = plsc.load_gather(tother, [slot])
        mean = (t0 + t1) * 0.5
        d = t0 - t1
        plsc.store_scatter(mcomp, [plsc.load_gather(posv, [slot])], mean)
        return psum + plsc.load_gather(mfv, [slot]) * (d * d)

    psum = lax.fori_loop(0, NCHUNK, combine_body,
                         jnp.zeros((L,), jnp.float32))
    pullsq = jnp.sum(psum)

    nb = (n + L - 1) >> 4
    my_blocks = (nb - h + 1) >> 1
    zero = jnp.zeros((L,), jnp.float32)

    def outer(t, accs):
        rb = 2 * t + h
        base = rb * L
        basev = jnp.full((L,), base, jnp.int32)
        riv = plsc.load_gather(mcomp, [basev + iota])
        valid = (basev + iota) < n
        mis = [plsc.load_gather(mcomp, [jnp.full((L,), base + l, jnp.int32)])
               for l in range(L)]
        accl = list(accs)
        for l in range(L):
            r = jnp.maximum(1.0 - jnp.abs(riv - mis[l]), 0.0)
            accl[l % NACC] = accl[l % NACC] + jnp.where(
                (iota >= l) & valid, r, 0.0)

        def inner(jc, accs2):
            mjv = plsc.load_gather(
                mcomp, [jnp.full((L,), jc * L, jnp.int32) + iota])
            a2 = list(accs2)
            for l in range(L):
                r = jnp.maximum(1.0 - jnp.abs(mjv - mis[l]), 0.0)
                a2[l % NACC] = a2[l % NACC] + r
            return tuple(a2)

        return lax.fori_loop(rb + 1, nb, inner, tuple(accl))

    accs = lax.fori_loop(0, my_blocks, outer, (zero,) * NACC)
    Sp = jnp.sum(sum(accs[1:], accs[0]))

    h0 = h == 0
    nfv = jnp.full((L,), n.astype(jnp.float32))
    pullv = jnp.full((L,), jnp.where(h0, pullsq, 0.0)) / (2.0 * (nfv + 1e-4))
    corr = jnp.where(h0, nfv + nfv * nfv / (nfv + 1e-4), 0.0)
    pushv = (2.0 * jnp.full((L,), Sp) - corr) / ((nfv - 1.0) * nfv + 1e-4)
    lane = lax.iota(jnp.int32, L)
    row_v[...] = jnp.where(lane == 0, pullv,
                           jnp.where(lane == 1, pushv, 0.0))
    pltpu.sync_copy(row_v, out_hbm.at[c * NS + s])


@functools.partial(
    pl.kernel,
    out_type=jax.ShapeDtypeStruct((NC * NS, L), jnp.float32),
    mesh=plsc.VectorSubcoreMesh(core_axis_name="c", subcore_axis_name="s"),
    compiler_params=pltpu.CompilerParams(needs_layout_passes=False),
    scratch_types=[
        pltpu.VMEM((128, 128), jnp.float32),
        pltpu.VMEM((KP,), jnp.int32),
        pltpu.VMEM((KP,), jnp.int32),
        pltpu.VMEM((KP,), jnp.int32),
        pltpu.VMEM((KP,), jnp.float32),
        pltpu.VMEM((KP,), jnp.float32),
        pltpu.VMEM((KP,), jnp.float32),
        pltpu.VMEM((KP + L,), jnp.float32),
        pltpu.VMEM((L,), jnp.float32),
        pltpu.VMEM_SHARED((NS, KP), jnp.float32),
        pltpu.SemaphoreType.DMA,
        pltpu.SemaphoreType.DMA,
    ],
)
def _tag_loss_sc(tag1_hbm, tag2_hbm, cat_hbm, out_hbm, *scratch):
    _tec_body(tag1_hbm, tag2_hbm, cat_hbm, out_hbm, *scratch)


@jax.jit
def kernel(tag1, tag2, ind1, ind2, mask):
    cat = jnp.concatenate(
        [ind1.astype(jnp.int32), ind2.astype(jnp.int32),
         mask.astype(jnp.int32)], axis=0).reshape(3 * B * K)
    out = _tag_loss_sc(tag1, tag2, cat)
    return (out[:, 0].sum(), out[:, 1].sum())

# --- scband reference (transcript-rebuilt; emitter-appended) ---
"""Pipeline reference for scband-tag-loss-2-472446402690 (READ-ONLY COPY).

The authoritative reference and input builder live on the scoring server;
editing this copy changes nothing except your own understanding.
"""

import jax, jax.numpy as jnp
import numpy as np


def _tranpose_and_gather_feat(feat, ind):
    # feat: [B, C, H, W], ind: [B, K] indices into H*W
    B, C, H, W = feat.shape
    feat = jnp.transpose(feat, (0, 2, 3, 1)).reshape(B, H * W, C)
    return jnp.take_along_axis(feat, ind[:, :, None].astype(jnp.int32), axis=1)  # [B, K, C]


def setup_inputs(seed: int = 0) -> dict:
    key = jax.random.key(seed)
    k1, k2, k3, k4, k5 = jax.random.split(key, 5)
    B, K, H, W = 16, 500, 128, 128
    tag1 = jax.random.normal(k1, (B, 1, H, W), dtype=jnp.float32)
    tag2 = jax.random.normal(k2, (B, 1, H, W), dtype=jnp.float32)
    ind1 = jax.random.randint(k3, (B, K), 0, H * W, dtype=jnp.int64) if jax.config.jax_enable_x64 else jax.random.randint(k3, (B, K), 0, H * W).astype(jnp.int32)
    ind2 = jax.random.randint(k4, (B, K), 0, H * W).astype(jnp.int32)
    ind1 = ind1.astype(jnp.int32)
    mask = jax.random.randint(k5, (B, K), 0, 2).astype(jnp.int32)
    return {"tag1": tag1, "tag2": tag2, "ind1": ind1, "ind2": ind2, "mask": mask}


def reference(tag1, tag2, ind1, ind2, mask):
    t0 = _tranpose_and_gather_feat(tag1, ind1)  # [B, K, 1]
    t1 = _tranpose_and_gather_feat(tag2, ind2)  # [B, K, 1]
    num = jnp.sum(mask, axis=1, keepdims=True).astype(jnp.float32)  # [B, 1]
    t0 = jnp.squeeze(t0, axis=2)  # [B, K]
    t1 = jnp.squeeze(t1, axis=2)  # [B, K]
    tag_mean = (t0 + t1) / 2.0
    mb = mask.astype(bool)
    pull0 = jnp.where(mb, jnp.square(t0 - tag_mean) / (num + 0.0001), 0.0).sum()
    pull1 = jnp.where(mb, jnp.square(t1 - tag_mean) / (num + 0.0001), 0.0).sum()
    pull = pull0 + pull1
    # pairwise mask: [B,1,K] + [B,K,1] == 2
    mask2 = (mask[:, None, :] + mask[:, :, None]) == 2  # [B, K, K]
    num_b = num[:, :, None]  # [B, 1, 1]
    num2 = (num_b - 1.0) * num_b
    dist = tag_mean[:, None, :] - tag_mean[:, :, None]  # [B, K, K]
    dist = 1.0 - jnp.abs(dist)
    dist = jax.nn.relu(dist)
    dist = dist - 1.0 / (num_b + 0.0001)
    dist = dist / (num2 + 0.0001)
    push = jnp.where(mask2, dist, 0.0).sum()
    return (pull, push)

if __name__ == "__main__":
    import jax
    _d = setup_inputs()
    print(jax.jit(kernel)(*tuple(_d.values())))

</pallas_src>

<mosaic_0001>
#map = affine_map<(d0, d1) -> (0, 0, 0, 0)>
#map1 = affine_map<(d0, d1) -> (0)>
#map2 = affine_map<(d0, d1) -> (0, 0)>
module attributes {stable_mosaic.version = 14 : i64} {
  func.func @_tag_loss_sc(%arg0: i32, %arg1: i32, %arg2: memref<16x1x128x128xf32, #tpu.memory_space<hbm>>, %arg3: memref<16x1x128x128xf32, #tpu.memory_space<hbm>>, %arg4: memref<24000xi32, #tpu.memory_space<hbm>>, %arg5: memref<32x16xf32, #tpu.memory_space<hbm>>, %arg6: memref<128x128xf32, #tpu.memory_space<vmem>>, %arg7: memref<512xi32, #tpu.memory_space<vmem>>, %arg8: memref<512xi32, #tpu.memory_space<vmem>>, %arg9: memref<512xi32, #tpu.memory_space<vmem>>, %arg10: memref<512xf32, #tpu.memory_space<vmem>>, %arg11: memref<512xf32, #tpu.memory_space<vmem>>, %arg12: memref<512xf32, #tpu.memory_space<vmem>>, %arg13: memref<528xf32, #tpu.memory_space<vmem>>, %arg14: memref<16xf32, #tpu.memory_space<vmem>>, %arg15: memref<16x512xf32, #tpu.memory_space<vmem_shared>>, %arg16: memref<!tpu.dma_semaphore, #tpu.memory_space<semaphore_mem>>, %arg17: memref<!tpu.dma_semaphore, #tpu.memory_space<semaphore_mem>>) attributes {dimension_semantics = [#tpu.dimension_semantics<core_parallel>, #tpu.dimension_semantics<subcore_parallel>], iteration_bounds = array<i64: 2, 16>, scalar_prefetch = 0 : i64, scratch_operands = 12 : i64, tpu.core_type = #tpu.core_type<sc_vector_subcore>, window_params = [{transform_indices = #map}, {transform_indices = #map}, {transform_indices = #map1}, {transform_indices = #map2}]} {
    %mul3A = arith.constant 8 : i32
    %mul3A_0 = arith.muli %arg0, %mul3A : i32
    %shift_right_arithmetic3A = arith.constant 1 : i32
    %shift_right_arithmetic3A_1 = arith.shrsi %arg1, %shift_right_arithmetic3A : i32
    %add3A = arith.addi %mul3A_0, %shift_right_arithmetic3A_1 : i32
    %and3A = arith.constant 1 : i32
    %and3A_2 = arith.andi %arg1, %and3A : i32
    %iota3A = tpu.iota {dimensions = array<i32: 0>} : vector<16xi32>
    %mul3A_3 = arith.constant 500 : i32
    %mul3A_4 = arith.muli %add3A, %mul3A_3 : i32
    %and3A_5 = arith.constant -8 : i32
    %and3A_6 = arith.andi %mul3A_4, %and3A_5 : i32
    %min3A = arith.constant 7488 : i32
    %min3A_7 = arith.minsi %and3A_6, %min3A : i32
    %sub3A = arith.subi %mul3A_4, %min3A_7 : i32
    %add3A_8 = arith.constant 16000 : i32
    %add3A_9 = arith.addi %add3A_8, %min3A_7 : i32
    %multiple_of3A = tpu.assume_multiple %add3A_9, 8 : i32
    %dma_start3A = tpu.memref_slice %arg4[%multiple_of3A] : memref<24000xi32, #tpu.memory_space<hbm>> -> memref<512xi32, #tpu.memory_space<hbm>>
    %dma_start3A_10 = tpu.memref_slice %arg4[%multiple_of3A] : memref<24000xi32, #tpu.memory_space<hbm>> -> memref<512xi32, #tpu.memory_space<hbm>>
    tpu.enqueue_dma source(%dma_start3A_10 : memref<512xi32, #tpu.memory_space<hbm>>) target(%arg8 : memref<512xi32, #tpu.memory_space<vmem>>) target_semaphore(%arg16 : memref<!tpu.dma_semaphore, #tpu.memory_space<semaphore_mem>>)
    %eq3A = arith.constant 0 : i32
    %eq3A_11 = arith.cmpi eq, %arg1, %eq3A : i32
    %convert_element_type3A = arith.extui %eq3A_11 : i1 to i32
    %cond3A = arith.constant 0 : i32
    %cond3A_12 = arith.cmpi ne, %convert_element_type3A, %cond3A : i32
    scf.if %cond3A_12 {
      %dma_start3A_203 = arith.constant 0 : i32
      %dma_start3A_204 = arith.constant 0 : i32
      %dma_start3A_205 = arith.constant 0 : i32
      %dma_start3A_206 = tpu.memref_slice %arg2[%add3A, %dma_start3A_203, %dma_start3A_204, %dma_start3A_205] : memref<16x1x128x128xf32, #tpu.memory_space<hbm>> -> memref<1x1x128x128xf32, #tpu.memory_space<hbm>>
      %dma_start3A_207 = tpu.memref_squeeze %dma_start3A_206 : memref<1x1x128x128xf32, #tpu.memory_space<hbm>> -> memref<128x128xf32, #tpu.memory_space<hbm>>
      %dma_start3A_208 = arith.constant 0 : i32
      %dma_start3A_209 = arith.constant 0 : i32
      %dma_start3A_210 = tpu.memref_slice %arg2[%add3A, %dma_start3A_203, %dma_start3A_208, %dma_start3A_209] : memref<16x1x128x128xf32, #tpu.memory_space<hbm>> -> memref<1x1x128x128xf32, #tpu.memory_space<hbm>>
      %dma_start3A_211 = tpu.memref_squeeze %dma_start3A_210 : memref<1x1x128x128xf32, #tpu.memory_space<hbm>> -> memref<128x128xf32, #tpu.memory_space<hbm>>
      tpu.enqueue_dma source(%dma_start3A_211 : memref<128x128xf32, #tpu.memory_space<hbm>>) target(%arg6 : memref<128x128xf32, #tpu.memory_space<vmem>>) target_semaphore(%arg17 : memref<!tpu.dma_semaphore, #tpu.memory_space<semaphore_mem>>)
      %multiple_of3A_212 = tpu.assume_multiple %min3A_7, 8 : i32
      %dma_start3A_213 = tpu.memref_slice %arg4[%multiple_of3A_212] : memref<24000xi32, #tpu.memory_space<hbm>> -> memref<512xi32, #tpu.memory_space<hbm>>
      %dma_start3A_214 = tpu.memref_slice %arg4[%multiple_of3A_212] : memref<24000xi32, #tpu.memory_space<hbm>> -> memref<512xi32, #tpu.memory_space<hbm>>
      tpu.enqueue_dma source(%dma_start3A_214 : memref<512xi32, #tpu.memory_space<hbm>>) target(%arg7 : memref<512xi32, #tpu.memory_space<vmem>>) target_semaphore(%arg16 : memref<!tpu.dma_semaphore, #tpu.memory_space<semaphore_mem>>)
    } else {
    }
    %eq3A_13 = arith.constant 1 : i32
    %eq3A_14 = arith.cmpi eq, %arg1, %eq3A_13 : i32
    %convert_element_type3A_15 = arith.extui %eq3A_14 : i1 to i32
    %cond3A_16 = arith.constant 0 : i32
    %cond3A_17 = arith.cmpi ne, %convert_element_type3A_15, %cond3A_16 : i32
    scf.if %cond3A_17 {
      %dma_start3A_203 = arith.constant 0 : i32
      %dma_start3A_204 = arith.constant 0 : i32
      %dma_start3A_205 = arith.constant 0 : i32
      %dma_start3A_206 = tpu.memref_slice %arg3[%add3A, %dma_start3A_203, %dma_start3A_204, %dma_start3A_205] : memref<16x1x128x128xf32, #tpu.memory_space<hbm>> -> memref<1x1x128x128xf32, #tpu.memory_space<hbm>>
      %dma_start3A_207 = tpu.memref_squeeze %dma_start3A_206 : memref<1x1x128x128xf32, #tpu.memory_space<hbm>> -> memref<128x128xf32, #tpu.memory_space<hbm>>
      %dma_start3A_208 = arith.constant 0 : i32
      %dma_start3A_209 = arith.constant 0 : i32
      %dma_start3A_210 = tpu.memref_slice %arg3[%add3A, %dma_start3A_203, %dma_start3A_208, %dma_start3A_209] : memref<16x1x128x128xf32, #tpu.memory_space<hbm>> -> memref<1x1x128x128xf32, #tpu.memory_space<hbm>>
      %dma_start3A_211 = tpu.memref_squeeze %dma_start3A_210 : memref<1x1x128x128xf32, #tpu.memory_space<hbm>> -> memref<128x128xf32, #tpu.memory_space<hbm>>
      tpu.enqueue_dma source(%dma_start3A_211 : memref<128x128xf32, #tpu.memory_space<hbm>>) target(%arg6 : memref<128x128xf32, #tpu.memory_space<vmem>>) target_semaphore(%arg17 : memref<!tpu.dma_semaphore, #tpu.memory_space<semaphore_mem>>)
      %add3A_212 = arith.constant 8000 : i32
      %add3A_213 = arith.addi %add3A_212, %min3A_7 : i32
      %multiple_of3A_214 = tpu.assume_multiple %add3A_213, 8 : i32
      %dma_start3A_215 = tpu.memref_slice %arg4[%multiple_of3A_214] : memref<24000xi32, #tpu.memory_space<hbm>> -> memref<512xi32, #tpu.memory_space<hbm>>
      %dma_start3A_216 = tpu.memref_slice %arg4[%multiple_of3A_214] : memref<24000xi32, #tpu.memory_space<hbm>> -> memref<512xi32, #tpu.memory_space<hbm>>
      tpu.enqueue_dma source(%dma_start3A_216 : memref<512xi32, #tpu.memory_space<hbm>>) target(%arg7 : memref<512xi32, #tpu.memory_space<vmem>>) target_semaphore(%arg16 : memref<!tpu.dma_semaphore, #tpu.memory_space<semaphore_mem>>)
    } else {
    }
    %eq3A_18 = arith.constant 2 : i32
    %eq3A_19 = arith.cmpi eq, %arg1, %eq3A_18 : i32
    %convert_element_type3A_20 = arith.extui %eq3A_19 : i1 to i32
    %cond3A_21 = arith.constant 0 : i32
    %cond3A_22 = arith.cmpi ne, %convert_element_type3A_20, %cond3A_21 : i32
    scf.if %cond3A_22 {
      %dma_start3A_203 = arith.constant 0 : i32
      %dma_start3A_204 = arith.constant 0 : i32
      %dma_start3A_205 = arith.constant 0 : i32
      %dma_start3A_206 = tpu.memref_slice %arg2[%add3A, %dma_start3A_203, %dma_start3A_204, %dma_start3A_205] : memref<16x1x128x128xf32, #tpu.memory_space<hbm>> -> memref<1x1x128x128xf32, #tpu.memory_space<hbm>>
      %dma_start3A_207 = tpu.memref_squeeze %dma_start3A_206 : memref<1x1x128x128xf32, #tpu.memory_space<hbm>> -> memref<128x128xf32, #tpu.memory_space<hbm>>
      %dma_start3A_208 = arith.constant 0 : i32
      %dma_start3A_209 = arith.constant 0 : i32
      %dma_start3A_210 = tpu.memref_slice %arg2[%add3A, %dma_start3A_203, %dma_start3A_208, %dma_start3A_209] : memref<16x1x128x128xf32, #tpu.memory_space<hbm>> -> memref<1x1x128x128xf32, #tpu.memory_space<hbm>>
      %dma_start3A_211 = tpu.memref_squeeze %dma_start3A_210 : memref<1x1x128x128xf32, #tpu.memory_space<hbm>> -> memref<128x128xf32, #tpu.memory_space<hbm>>
      tpu.enqueue_dma source(%dma_start3A_211 : memref<128x128xf32, #tpu.memory_space<hbm>>) target(%arg6 : memref<128x128xf32, #tpu.memory_space<vmem>>) target_semaphore(%arg17 : memref<!tpu.dma_semaphore, #tpu.memory_space<semaphore_mem>>)
      %multiple_of3A_212 = tpu.assume_multiple %min3A_7, 8 : i32
      %dma_start3A_213 = tpu.memref_slice %arg4[%multiple_of3A_212] : memref<24000xi32, #tpu.memory_space<hbm>> -> memref<512xi32, #tpu.memory_space<hbm>>
      %dma_start3A_214 = tpu.memref_slice %arg4[%multiple_of3A_212] : memref<24000xi32, #tpu.memory_space<hbm>> -> memref<512xi32, #tpu.memory_space<hbm>>
      tpu.enqueue_dma source(%dma_start3A_214 : memref<512xi32, #tpu.memory_space<hbm>>) target(%arg7 : memref<512xi32, #tpu.memory_space<vmem>>) target_semaphore(%arg16 : memref<!tpu.dma_semaphore, #tpu.memory_space<semaphore_mem>>)
    } else {
    }
    %eq3A_23 = arith.constant 3 : i32
    %eq3A_24 = arith.cmpi eq, %arg1, %eq3A_23 : i32
    %convert_element_type3A_25 = arith.extui %eq3A_24 : i1 to i32
    %cond3A_26 = arith.constant 0 : i32
    %cond3A_27 = arith.cmpi ne, %convert_element_type3A_25, %cond3A_26 : i32
    scf.if %cond3A_27 {
      %dma_start3A_203 = arith.constant 0 : i32
      %dma_start3A_204 = arith.constant 0 : i32
      %dma_start3A_205 = arith.constant 0 : i32
      %dma_start3A_206 = tpu.memref_slice %arg3[%add3A, %dma_start3A_203, %dma_start3A_204, %dma_start3A_205] : memref<16x1x128x128xf32, #tpu.memory_space<hbm>> -> memref<1x1x128x128xf32, #tpu.memory_space<hbm>>
      %dma_start3A_207 = tpu.memref_squeeze %dma_start3A_206 : memref<1x1x128x128xf32, #tpu.memory_space<hbm>> -> memref<128x128xf32, #tpu.memory_space<hbm>>
      %dma_start3A_208 = arith.constant 0 : i32
      %dma_start3A_209 = arith.constant 0 : i32
      %dma_start3A_210 = tpu.memref_slice %arg3[%add3A, %dma_start3A_203, %dma_start3A_208, %dma_start3A_209] : memref<16x1x128x128xf32, #tpu.memory_space<hbm>> -> memref<1x1x128x128xf32, #tpu.memory_space<hbm>>
      %dma_start3A_211 = tpu.memref_squeeze %dma_start3A_210 : memref<1x1x128x128xf32, #tpu.memory_space<hbm>> -> memref<128x128xf32, #tpu.memory_space<hbm>>
      tpu.enqueue_dma source(%dma_start3A_211 : memref<128x128xf32, #tpu.memory_space<hbm>>) target(%arg6 : memref<128x128xf32, #tpu.memory_space<vmem>>) target_semaphore(%arg17 : memref<!tpu.dma_semaphore, #tpu.memory_space<semaphore_mem>>)
      %add3A_212 = arith.constant 8000 : i32
      %add3A_213 = arith.addi %add3A_212, %min3A_7 : i32
      %multiple_of3A_214 = tpu.assume_multiple %add3A_213, 8 : i32
      %dma_start3A_215 = tpu.memref_slice %arg4[%multiple_of3A_214] : memref<24000xi32, #tpu.memory_space<hbm>> -> memref<512xi32, #tpu.memory_space<hbm>>
      %dma_start3A_216 = tpu.memref_slice %arg4[%multiple_of3A_214] : memref<24000xi32, #tpu.memory_space<hbm>> -> memref<512xi32, #tpu.memory_space<hbm>>
      tpu.enqueue_dma source(%dma_start3A_216 : memref<512xi32, #tpu.memory_space<hbm>>) target(%arg7 : memref<512xi32, #tpu.memory_space<vmem>>) target_semaphore(%arg16 : memref<!tpu.dma_semaphore, #tpu.memory_space<semaphore_mem>>)
    } else {
    }
    %eq3A_28 = arith.constant 4 : i32
    %eq3A_29 = arith.cmpi eq, %arg1, %eq3A_28 : i32
    %convert_element_type3A_30 = arith.extui %eq3A_29 : i1 to i32
    %cond3A_31 = arith.constant 0 : i32
    %cond3A_32 = arith.cmpi ne, %convert_element_type3A_30, %cond3A_31 : i32
    scf.if %cond3A_32 {
      %dma_start3A_203 = arith.constant 0 : i32
      %dma_start3A_204 = arith.constant 0 : i32
      %dma_start3A_205 = arith.constant 0 : i32
      %dma_start3A_206 = tpu.memref_slice %arg2[%add3A, %dma_start3A_203, %dma_start3A_204, %dma_start3A_205] : memref<16x1x128x128xf32, #tpu.memory_space<hbm>> -> memref<1x1x128x128xf32, #tpu.memory_space<hbm>>
      %dma_start3A_207 = tpu.memref_squeeze %dma_start3A_206 : memref<1x1x128x128xf32, #tpu.memory_space<hbm>> -> memref<128x128xf32, #tpu.memory_space<hbm>>
      %dma_start3A_208 = arith.constant 0 : i32
      %dma_start3A_209 = arith.constant 0 : i32
      %dma_start3A_210 = tpu.memref_slice %arg2[%add3A, %dma_start3A_203, %dma_start3A_208, %dma_start3A_209] : memref<16x1x128x128xf32, #tpu.memory_space<hbm>> -> memref<1x1x128x128xf32, #tpu.memory_space<hbm>>
      %dma_start3A_211 = tpu.memref_squeeze %dma_start3A_210 : memref<1x1x128x128xf32, #tpu.memory_space<hbm>> -> memref<128x128xf32, #tpu.memory_space<hbm>>
      tpu.enqueue_dma source(%dma_start3A_211 : memref<128x128xf32, #tpu.memory_space<hbm>>) target(%arg6 : memref<128x128xf32, #tpu.memory_space<vmem>>) target_semaphore(%arg17 : memref<!tpu.dma_semaphore, #tpu.memory_space<semaphore_mem>>)
      %multiple_of3A_212 = tpu.assume_multiple %min3A_7, 8 : i32
      %dma_start3A_213 = tpu.memref_slice %arg4[%multiple_of3A_212] : memref<24000xi32, #tpu.memory_space<hbm>> -> memref<512xi32, #tpu.memory_space<hbm>>
      %dma_start3A_214 = tpu.memref_slice %arg4[%multiple_of3A_212] : memref<24000xi32, #tpu.memory_space<hbm>> -> memref<512xi32, #tpu.memory_space<hbm>>
      tpu.enqueue_dma source(%dma_start3A_214 : memref<512xi32, #tpu.memory_space<hbm>>) target(%arg7 : memref<512xi32, #tpu.memory_space<vmem>>) target_semaphore(%arg16 : memref<!tpu.dma_semaphore, #tpu.memory_space<semaphore_mem>>)
    } else {
    }
    %eq3A_33 = arith.constant 5 : i32
    %eq3A_34 = arith.cmpi eq, %arg1, %eq3A_33 : i32
    %convert_element_type3A_35 = arith.extui %eq3A_34 : i1 to i32
    %cond3A_36 = arith.constant 0 : i32
    %cond3A_37 = arith.cmpi ne, %convert_element_type3A_35, %cond3A_36 : i32
    scf.if %cond3A_37 {
      %dma_start3A_203 = arith.constant 0 : i32
      %dma_start3A_204 = arith.constant 0 : i32
      %dma_start3A_205 = arith.constant 0 : i32
      %dma_start3A_206 = tpu.memref_slice %arg3[%add3A, %dma_start3A_203, %dma_start3A_204, %dma_start3A_205] : memref<16x1x128x128xf32, #tpu.memory_space<hbm>> -> memref<1x1x128x128xf32, #tpu.memory_space<hbm>>
      %dma_start3A_207 = tpu.memref_squeeze %dma_start3A_206 : memref<1x1x128x128xf32, #tpu.memory_space<hbm>> -> memref<128x128xf32, #tpu.memory_space<hbm>>
      %dma_start3A_208 = arith.constant 0 : i32
      %dma_start3A_209 = arith.constant 0 : i32
      %dma_start3A_210 = tpu.memref_slice %arg3[%add3A, %dma_start3A_203, %dma_start3A_208, %dma_start3A_209] : memref<16x1x128x128xf32, #tpu.memory_space<hbm>> -> memref<1x1x128x128xf32, #tpu.memory_space<hbm>>
      %dma_start3A_211 = tpu.memref_squeeze %dma_start3A_210 : memref<1x1x128x128xf32, #tpu.memory_space<hbm>> -> memref<128x128xf32, #tpu.memory_space<hbm>>
      tpu.enqueue_dma source(%dma_start3A_211 : memref<128x128xf32, #tpu.memory_space<hbm>>) target(%arg6 : memref<128x128xf32, #tpu.memory_space<vmem>>) target_semaphore(%arg17 : memref<!tpu.dma_semaphore, #tpu.memory_space<semaphore_mem>>)
      %add3A_212 = arith.constant 8000 : i32
      %add3A_213 = arith.addi %add3A_212, %min3A_7 : i32
      %multiple_of3A_214 = tpu.assume_multiple %add3A_213, 8 : i32
      %dma_start3A_215 = tpu.memref_slice %arg4[%multiple_of3A_214] : memref<24000xi32, #tpu.memory_space<hbm>> -> memref<512xi32, #tpu.memory_space<hbm>>
      %dma_start3A_216 = tpu.memref_slice %arg4[%multiple_of3A_214] : memref<24000xi32, #tpu.memory_space<hbm>> -> memref<512xi32, #tpu.memory_space<hbm>>
      tpu.enqueue_dma source(%dma_start3A_216 : memref<512xi32, #tpu.memory_space<hbm>>) target(%arg7 : memref<512xi32, #tpu.memory_space<vmem>>) target_semaphore(%arg16 : memref<!tpu.dma_semaphore, #tpu.memory_space<semaphore_mem>>)
    } else {
    }
    %eq3A_38 = arith.constant 6 : i32
    %eq3A_39 = arith.cmpi eq, %arg1, %eq3A_38 : i32
    %convert_element_type3A_40 = arith.extui %eq3A_39 : i1 to i32
    %cond3A_41 = arith.constant 0 : i32
    %cond3A_42 = arith.cmpi ne, %convert_element_type3A_40, %cond3A_41 : i32
    scf.if %cond3A_42 {
      %dma_start3A_203 = arith.constant 0 : i32
      %dma_start3A_204 = arith.constant 0 : i32
      %dma_start3A_205 = arith.constant 0 : i32
      %dma_start3A_206 = tpu.memref_slice %arg2[%add3A, %dma_start3A_203, %dma_start3A_204, %dma_start3A_205] : memref<16x1x128x128xf32, #tpu.memory_space<hbm>> -> memref<1x1x128x128xf32, #tpu.memory_space<hbm>>
      %dma_start3A_207 = tpu.memref_squeeze %dma_start3A_206 : memref<1x1x128x128xf32, #tpu.memory_space<hbm>> -> memref<128x128xf32, #tpu.memory_space<hbm>>
      %dma_start3A_208 = arith.constant 0 : i32
      %dma_start3A_209 = arith.constant 0 : i32
      %dma_start3A_210 = tpu.memref_slice %arg2[%add3A, %dma_start3A_203, %dma_start3A_208, %dma_start3A_209] : memref<16x1x128x128xf32, #tpu.memory_space<hbm>> -> memref<1x1x128x128xf32, #tpu.memory_space<hbm>>
      %dma_start3A_211 = tpu.memref_squeeze %dma_start3A_210 : memref<1x1x128x128xf32, #tpu.memory_space<hbm>> -> memref<128x128xf32, #tpu.memory_space<hbm>>
      tpu.enqueue_dma source(%dma_start3A_211 : memref<128x128xf32, #tpu.memory_space<hbm>>) target(%arg6 : memref<128x128xf32, #tpu.memory_space<vmem>>) target_semaphore(%arg17 : memref<!tpu.dma_semaphore, #tpu.memory_space<semaphore_mem>>)
      %multiple_of3A_212 = tpu.assume_multiple %min3A_7, 8 : i32
      %dma_start3A_213 = tpu.memref_slice %arg4[%multiple_of3A_212] : memref<24000xi32, #tpu.memory_space<hbm>> -> memref<512xi32, #tpu.memory_space<hbm>>
      %dma_start3A_214 = tpu.memref_slice %arg4[%multiple_of3A_212] : memref<24000xi32, #tpu.memory_space<hbm>> -> memref<512xi32, #tpu.memory_space<hbm>>
      tpu.enqueue_dma source(%dma_start3A_214 : memref<512xi32, #tpu.memory_space<hbm>>) target(%arg7 : memref<512xi32, #tpu.memory_space<vmem>>) target_semaphore(%arg16 : memref<!tpu.dma_semaphore, #tpu.memory_space<semaphore_mem>>)
    } else {
    }
    %eq3A_43 = arith.constant 7 : i32
    %eq3A_44 = arith.cmpi eq, %arg1, %eq3A_43 : i32
    %convert_element_type3A_45 = arith.extui %eq3A_44 : i1 to i32
    %cond3A_46 = arith.constant 0 : i32
    %cond3A_47 = arith.cmpi ne, %convert_element_type3A_45, %cond3A_46 : i32
    scf.if %cond3A_47 {
      %dma_start3A_203 = arith.constant 0 : i32
      %dma_start3A_204 = arith.constant 0 : i32
      %dma_start3A_205 = arith.constant 0 : i32
      %dma_start3A_206 = tpu.memref_slice %arg3[%add3A, %dma_start3A_203, %dma_start3A_204, %dma_start3A_205] : memref<16x1x128x128xf32, #tpu.memory_space<hbm>> -> memref<1x1x128x128xf32, #tpu.memory_space<hbm>>
      %dma_start3A_207 = tpu.memref_squeeze %dma_start3A_206 : memref<1x1x128x128xf32, #tpu.memory_space<hbm>> -> memref<128x128xf32, #tpu.memory_space<hbm>>
      %dma_start3A_208 = arith.constant 0 : i32
      %dma_start3A_209 = arith.constant 0 : i32
      %dma_start3A_210 = tpu.memref_slice %arg3[%add3A, %dma_start3A_203, %dma_start3A_208, %dma_start3A_209] : memref<16x1x128x128xf32, #tpu.memory_space<hbm>> -> memref<1x1x128x128xf32, #tpu.memory_space<hbm>>
      %dma_start3A_211 = tpu.memref_squeeze %dma_start3A_210 : memref<1x1x128x128xf32, #tpu.memory_space<hbm>> -> memref<128x128xf32, #tpu.memory_space<hbm>>
      tpu.enqueue_dma source(%dma_start3A_211 : memref<128x128xf32, #tpu.memory_space<hbm>>) target(%arg6 : memref<128x128xf32, #tpu.memory_space<vmem>>) target_semaphore(%arg17 : memref<!tpu.dma_semaphore, #tpu.memory_space<semaphore_mem>>)
      %add3A_212 = arith.constant 8000 : i32
      %add3A_213 = arith.addi %add3A_212, %min3A_7 : i32
      %multiple_of3A_214 = tpu.assume_multiple %add3A_213, 8 : i32
      %dma_start3A_215 = tpu.memref_slice %arg4[%multiple_of3A_214] : memref<24000xi32, #tpu.memory_space<hbm>> -> memref<512xi32, #tpu.memory_space<hbm>>
      %dma_start3A_216 = tpu.memref_slice %arg4[%multiple_of3A_214] : memref<24000xi32, #tpu.memory_space<hbm>> -> memref<512xi32, #tpu.memory_space<hbm>>
      tpu.enqueue_dma source(%dma_start3A_216 : memref<512xi32, #tpu.memory_space<hbm>>) target(%arg7 : memref<512xi32, #tpu.memory_space<vmem>>) target_semaphore(%arg16 : memref<!tpu.dma_semaphore, #tpu.memory_space<semaphore_mem>>)
    } else {
    }
    %eq3A_48 = arith.constant 8 : i32
    %eq3A_49 = arith.cmpi eq, %arg1, %eq3A_48 : i32
    %convert_element_type3A_50 = arith.extui %eq3A_49 : i1 to i32
    %cond3A_51 = arith.constant 0 : i32
    %cond3A_52 = arith.cmpi ne, %convert_element_type3A_50, %cond3A_51 : i32
    scf.if %cond3A_52 {
      %dma_start3A_203 = arith.constant 0 : i32
      %dma_start3A_204 = arith.constant 0 : i32
      %dma_start3A_205 = arith.constant 0 : i32
      %dma_start3A_206 = tpu.memref_slice %arg2[%add3A, %dma_start3A_203, %dma_start3A_204, %dma_start3A_205] : memref<16x1x128x128xf32, #tpu.memory_space<hbm>> -> memref<1x1x128x128xf32, #tpu.memory_space<hbm>>
      %dma_start3A_207 = tpu.memref_squeeze %dma_start3A_206 : memref<1x1x128x128xf32, #tpu.memory_space<hbm>> -> memref<128x128xf32, #tpu.memory_space<hbm>>
      %dma_start3A_208 = arith.constant 0 : i32
      %dma_start3A_209 = arith.constant 0 : i32
      %dma_start3A_210 = tpu.memref_slice %arg2[%add3A, %dma_start3A_203, %dma_start3A_208, %dma_start3A_209] : memref<16x1x128x128xf32, #tpu.memory_space<hbm>> -> memref<1x1x128x128xf32, #tpu.memory_space<hbm>>
      %dma_start3A_211 = tpu.memref_squeeze %dma_start3A_210 : memref<1x1x128x128xf32, #tpu.memory_space<hbm>> -> memref<128x128xf32, #tpu.memory_space<hbm>>
      tpu.enqueue_dma source(%dma_start3A_211 : memref<128x128xf32, #tpu.memory_space<hbm>>) target(%arg6 : memref<128x128xf32, #tpu.memory_space<vmem>>) target_semaphore(%arg17 : memref<!tpu.dma_semaphore, #tpu.memory_space<semaphore_mem>>)
      %multiple_of3A_212 = tpu.assume_multiple %min3A_7, 8 : i32
      %dma_start3A_213 = tpu.memref_slice %arg4[%multiple_of3A_212] : memref<24000xi32, #tpu.memory_space<hbm>> -> memref<512xi32, #tpu.memory_space<hbm>>
      %dma_start3A_214 = tpu.memref_slice %arg4[%multiple_of3A_212] : memref<24000xi32, #tpu.memory_space<hbm>> -> memref<512xi32, #tpu.memory_space<hbm>>
      tpu.enqueue_dma source(%dma_start3A_214 : memref<512xi32, #tpu.memory_space<hbm>>) target(%arg7 : memref<512xi32, #tpu.memory_space<vmem>>) target_semaphore(%arg16 : memref<!tpu.dma_semaphore, #tpu.memory_space<semaphore_mem>>)
    } else {
    }
    %eq3A_53 = arith.constant 9 : i32
    %eq3A_54 = arith.cmpi eq, %arg1, %eq3A_53 : i32
    %convert_element_type3A_55 = arith.extui %eq3A_54 : i1 to i32
    %cond3A_56 = arith.constant 0 : i32
    %cond3A_57 = arith.cmpi ne, %convert_element_type3A_55, %cond3A_56 : i32
    scf.if %cond3A_57 {
      %dma_start3A_203 = arith.constant 0 : i32
      %dma_start3A_204 = arith.constant 0 : i32
      %dma_start3A_205 = arith.constant 0 : i32
      %dma_start3A_206 = tpu.memref_slice %arg3[%add3A, %dma_start3A_203, %dma_start3A_204, %dma_start3A_205] : memref<16x1x128x128xf32, #tpu.memory_space<hbm>> -> memref<1x1x128x128xf32, #tpu.memory_space<hbm>>
      %dma_start3A_207 = tpu.memref_squeeze %dma_start3A_206 : memref<1x1x128x128xf32, #tpu.memory_space<hbm>> -> memref<128x128xf32, #tpu.memory_space<hbm>>
      %dma_start3A_208 = arith.constant 0 : i32
      %dma_start3A_209 = arith.constant 0 : i32
      %dma_start3A_210 = tpu.memref_slice %arg3[%add3A, %dma_start3A_203, %dma_start3A_208, %dma_start3A_209] : memref<16x1x128x128xf32, #tpu.memory_space<hbm>> -> memref<1x1x128x128xf32, #tpu.memory_space<hbm>>
      %dma_start3A_211 = tpu.memref_squeeze %dma_start3A_210 : memref<1x1x128x128xf32, #tpu.memory_space<hbm>> -> memref<128x128xf32, #tpu.memory_space<hbm>>
      tpu.enqueue_dma source(%dma_start3A_211 : memref<128x128xf32, #tpu.memory_space<hbm>>) target(%arg6 : memref<128x128xf32, #tpu.memory_space<vmem>>) target_semaphore(%arg17 : memref<!tpu.dma_semaphore, #tpu.memory_space<semaphore_mem>>)
      %add3A_212 = arith.constant 8000 : i32
      %add3A_213 = arith.addi %add3A_212, %min3A_7 : i32
      %multiple_of3A_214 = tpu.assume_multiple %add3A_213, 8 : i32
      %dma_start3A_215 = tpu.memref_slice %arg4[%multiple_of3A_214] : memref<24000xi32, #tpu.memory_space<hbm>> -> memref<512xi32, #tpu.memory_space<hbm>>
      %dma_start3A_216 = tpu.memref_slice %arg4[%multiple_of3A_214] : memref<24000xi32, #tpu.memory_space<hbm>> -> memref<512xi32, #tpu.memory_space<hbm>>
      tpu.enqueue_dma source(%dma_start3A_216 : memref<512xi32, #tpu.memory_space<hbm>>) target(%arg7 : memref<512xi32, #tpu.memory_space<vmem>>) target_semaphore(%arg16 : memref<!tpu.dma_semaphore, #tpu.memory_space<semaphore_mem>>)
    } else {
    }
    %eq3A_58 = arith.constant 10 : i32
    %eq3A_59 = arith.cmpi eq, %arg1, %eq3A_58 : i32
    %convert_element_type3A_60 = arith.extui %eq3A_59 : i1 to i32
    %cond3A_61 = arith.constant 0 : i32
    %cond3A_62 = arith.cmpi ne, %convert_element_type3A_60, %cond3A_61 : i32
    scf.if %cond3A_62 {
      %dma_start3A_203 = arith.constant 0 : i32
      %dma_start3A_204 = arith.constant 0 : i32
      %dma_start3A_205 = arith.constant 0 : i32
      %dma_start3A_206 = tpu.memref_slice %arg2[%add3A, %dma_start3A_203, %dma_start3A_204, %dma_start3A_205] : memref<16x1x128x128xf32, #tpu.memory_space<hbm>> -> memref<1x1x128x128xf32, #tpu.memory_space<hbm>>
      %dma_start3A_207 = tpu.memref_squeeze %dma_start3A_206 : memref<1x1x128x128xf32, #tpu.memory_space<hbm>> -> memref<128x128xf32, #tpu.memory_space<hbm>>
      %dma_start3A_208 = arith.constant 0 : i32
      %dma_start3A_209 = arith.constant 0 : i32
      %dma_start3A_210 = tpu.memref_slice %arg2[%add3A, %dma_start3A_203, %dma_start3A_208, %dma_start3A_209] : memref<16x1x128x128xf32, #tpu.memory_space<hbm>> -> memref<1x1x128x128xf32, #tpu.memory_space<hbm>>
      %dma_start3A_211 = tpu.memref_squeeze %dma_start3A_210 : memref<1x1x128x128xf32, #tpu.memory_space<hbm>> -> memref<128x128xf32, #tpu.memory_space<hbm>>
      tpu.enqueue_dma source(%dma_start3A_211 : memref<128x128xf32, #tpu.memory_space<hbm>>) target(%arg6 : memref<128x128xf32, #tpu.memory_space<vmem>>) target_semaphore(%arg17 : memref<!tpu.dma_semaphore, #tpu.memory_space<semaphore_mem>>)
      %multiple_of3A_212 = tpu.assume_multiple %min3A_7, 8 : i32
      %dma_start3A_213 = tpu.memref_slice %arg4[%multiple_of3A_212] : memref<24000xi32, #tpu.memory_space<hbm>> -> memref<512xi32, #tpu.memory_space<hbm>>
      %dma_start3A_214 = tpu.memref_slice %arg4[%multiple_of3A_212] : memref<24000xi32, #tpu.memory_space<hbm>> -> memref<512xi32, #tpu.memory_space<hbm>>
      tpu.enqueue_dma source(%dma_start3A_214 : memref<512xi32, #tpu.memory_space<hbm>>) target(%arg7 : memref<512xi32, #tpu.memory_space<vmem>>) target_semaphore(%arg16 : memref<!tpu.dma_semaphore, #tpu.memory_space<semaphore_mem>>)
    } else {
    }
    %eq3A_63 = arith.constant 11 : i32
    %eq3A_64 = arith.cmpi eq, %arg1, %eq3A_63 : i32
    %convert_element_type3A_65 = arith.extui %eq3A_64 : i1 to i32
    %cond3A_66 = arith.constant 0 : i32
    %cond3A_67 = arith.cmpi ne, %convert_element_type3A_65, %cond3A_66 : i32
    scf.if %cond3A_67 {
      %dma_start3A_203 = arith.constant 0 : i32
      %dma_start3A_204 = arith.constant 0 : i32
      %dma_start3A_205 = arith.constant 0 : i32
      %dma_start3A_206 = tpu.memref_slice %arg3[%add3A, %dma_start3A_203, %dma_start3A_204, %dma_start3A_205] : memref<16x1x128x128xf32, #tpu.memory_space<hbm>> -> memref<1x1x128x128xf32, #tpu.memory_space<hbm>>
      %dma_start3A_207 = tpu.memref_squeeze %dma_start3A_206 : memref<1x1x128x128xf32, #tpu.memory_space<hbm>> -> memref<128x128xf32, #tpu.memory_space<hbm>>
      %dma_start3A_208 = arith.constant 0 : i32
      %dma_start3A_209 = arith.constant 0 : i32
      %dma_start3A_210 = tpu.memref_slice %arg3[%add3A, %dma_start3A_203, %dma_start3A_208, %dma_start3A_209] : memref<16x1x128x128xf32, #tpu.memory_space<hbm>> -> memref<1x1x128x128xf32, #tpu.memory_space<hbm>>
      %dma_start3A_211 = tpu.memref_squeeze %dma_start3A_210 : memref<1x1x128x128xf32, #tpu.memory_space<hbm>> -> memref<128x128xf32, #tpu.memory_space<hbm>>
      tpu.enqueue_dma source(%dma_start3A_211 : memref<128x128xf32, #tpu.memory_space<hbm>>) target(%arg6 : memref<128x128xf32, #tpu.memory_space<vmem>>) target_semaphore(%arg17 : memref<!tpu.dma_semaphore, #tpu.memory_space<semaphore_mem>>)
      %add3A_212 = arith.constant 8000 : i32
      %add3A_213 = arith.addi %add3A_212, %min3A_7 : i32
      %multiple_of3A_214 = tpu.assume_multiple %add3A_213, 8 : i32
      %dma_start3A_215 = tpu.memref_slice %arg4[%multiple_of3A_214] : memref<24000xi32, #tpu.memory_space<hbm>> -> memref<512xi32, #tpu.memory_space<hbm>>
      %dma_start3A_216 = tpu.memref_slice %arg4[%multiple_of3A_214] : memref<24000xi32, #tpu.memory_space<hbm>> -> memref<512xi32, #tpu.memory_space<hbm>>
      tpu.enqueue_dma source(%dma_start3A_216 : memref<512xi32, #tpu.memory_space<hbm>>) target(%arg7 : memref<512xi32, #tpu.memory_space<vmem>>) target_semaphore(%arg16 : memref<!tpu.dma_semaphore, #tpu.memory_space<semaphore_mem>>)
    } else {
    }
    %eq3A_68 = arith.constant 12 : i32
    %eq3A_69 = arith.cmpi eq, %arg1, %eq3A_68 : i32
    %convert_element_type3A_70 = arith.extui %eq3A_69 : i1 to i32
    %cond3A_71 = arith.constant 0 : i32
    %cond3A_72 = arith.cmpi ne, %convert_element_type3A_70, %cond3A_71 : i32
    scf.if %cond3A_72 {
      %dma_start3A_203 = arith.constant 0 : i32
      %dma_start3A_204 = arith.constant 0 : i32
      %dma_start3A_205 = arith.constant 0 : i32
      %dma_start3A_206 = tpu.memref_slice %arg2[%add3A, %dma_start3A_203, %dma_start3A_204, %dma_start3A_205] : memref<16x1x128x128xf32, #tpu.memory_space<hbm>> -> memref<1x1x128x128xf32, #tpu.memory_space<hbm>>
      %dma_start3A_207 = tpu.memref_squeeze %dma_start3A_206 : memref<1x1x128x128xf32, #tpu.memory_space<hbm>> -> memref<128x128xf32, #tpu.memory_space<hbm>>
      %dma_start3A_208 = arith.constant 0 : i32
      %dma_start3A_209 = arith.constant 0 : i32
      %dma_start3A_210 = tpu.memref_slice %arg2[%add3A, %dma_start3A_203, %dma_start3A_208, %dma_start3A_209] : memref<16x1x128x128xf32, #tpu.memory_space<hbm>> -> memref<1x1x128x128xf32, #tpu.memory_space<hbm>>
      %dma_start3A_211 = tpu.memref_squeeze %dma_start3A_210 : memref<1x1x128x128xf32, #tpu.memory_space<hbm>> -> memref<128x128xf32, #tpu.memory_space<hbm>>
      tpu.enqueue_dma source(%dma_start3A_211 : memref<128x128xf32, #tpu.memory_space<hbm>>) target(%arg6 : memref<128x128xf32, #tpu.memory_space<vmem>>) target_semaphore(%arg17 : memref<!tpu.dma_semaphore, #tpu.memory_space<semaphore_mem>>)
      %multiple_of3A_212 = tpu.assume_multiple %min3A_7, 8 : i32
      %dma_start3A_213 = tpu.memref_slice %arg4[%multiple_of3A_212] : memref<24000xi32, #tpu.memory_space<hbm>> -> memref<512xi32, #tpu.memory_space<hbm>>
      %dma_start3A_214 = tpu.memref_slice %arg4[%multiple_of3A_212] : memref<24000xi32, #tpu.memory_space<hbm>> -> memref<512xi32, #tpu.memory_space<hbm>>
      tpu.enqueue_dma source(%dma_start3A_214 : memref<512xi32, #tpu.memory_space<hbm>>) target(%arg7 : memref<512xi32, #tpu.memory_space<vmem>>) target_semaphore(%arg16 : memref<!tpu.dma_semaphore, #tpu.memory_space<semaphore_mem>>)
    } else {
    }
    %eq3A_73 = arith.constant 13 : i32
    %eq3A_74 = arith.cmpi eq, %arg1, %eq3A_73 : i32
    %convert_element_type3A_75 = arith.extui %eq3A_74 : i1 to i32
    %cond3A_76 = arith.constant 0 : i32
    %cond3A_77 = arith.cmpi ne, %convert_element_type3A_75, %cond3A_76 : i32
    scf.if %cond3A_77 {
      %dma_start3A_203 = arith.constant 0 : i32
      %dma_start3A_204 = arith.constant 0 : i32
      %dma_start3A_205 = arith.constant 0 : i32
      %dma_start3A_206 = tpu.memref_slice %arg3[%add3A, %dma_start3A_203, %dma_start3A_204, %dma_start3A_205] : memref<16x1x128x128xf32, #tpu.memory_space<hbm>> -> memref<1x1x128x128xf32, #tpu.memory_space<hbm>>
      %dma_start3A_207 = tpu.memref_squeeze %dma_start3A_206 : memref<1x1x128x128xf32, #tpu.memory_space<hbm>> -> memref<128x128xf32, #tpu.memory_space<hbm>>
      %dma_start3A_208 = arith.constant 0 : i32
      %dma_start3A_209 = arith.constant 0 : i32
      %dma_start3A_210 = tpu.memref_slice %arg3[%add3A, %dma_start3A_203, %dma_start3A_208, %dma_start3A_209] : memref<16x1x128x128xf32, #tpu.memory_space<hbm>> -> memref<1x1x128x128xf32, #tpu.memory_space<hbm>>
      %dma_start3A_211 = tpu.memref_squeeze %dma_start3A_210 : memref<1x1x128x128xf32, #tpu.memory_space<hbm>> -> memref<128x128xf32, #tpu.memory_space<hbm>>
      tpu.enqueue_dma source(%dma_start3A_211 : memref<128x128xf32, #tpu.memory_space<hbm>>) target(%arg6 : memref<128x128xf32, #tpu.memory_space<vmem>>) target_semaphore(%arg17 : memref<!tpu.dma_semaphore, #tpu.memory_space<semaphore_mem>>)
      %add3A_212 = arith.constant 8000 : i32
      %add3A_213 = arith.addi %add3A_212, %min3A_7 : i32
      %multiple_of3A_214 = tpu.assume_multiple %add3A_213, 8 : i32
      %dma_start3A_215 = tpu.memref_slice %arg4[%multiple_of3A_214] : memref<24000xi32, #tpu.memory_space<hbm>> -> memref<512xi32, #tpu.memory_space<hbm>>
      %dma_start3A_216 = tpu.memref_slice %arg4[%multiple_of3A_214] : memref<24000xi32, #tpu.memory_space<hbm>> -> memref<512xi32, #tpu.memory_space<hbm>>
      tpu.enqueue_dma source(%dma_start3A_216 : memref<512xi32, #tpu.memory_space<hbm>>) target(%arg7 : memref<512xi32, #tpu.memory_space<vmem>>) target_semaphore(%arg16 : memref<!tpu.dma_semaphore, #tpu.memory_space<semaphore_mem>>)
    } else {
    }
    %eq3A_78 = arith.constant 14 : i32
    %eq3A_79 = arith.cmpi eq, %arg1, %eq3A_78 : i32
    %convert_element_type3A_80 = arith.extui %eq3A_79 : i1 to i32
    %cond3A_81 = arith.constant 0 : i32
    %cond3A_82 = arith.cmpi ne, %convert_element_type3A_80, %cond3A_81 : i32
    scf.if %cond3A_82 {
      %dma_start3A_203 = arith.constant 0 : i32
      %dma_start3A_204 = arith.constant 0 : i32
      %dma_start3A_205 = arith.constant 0 : i32
      %dma_start3A_206 = tpu.memref_slice %arg2[%add3A, %dma_start3A_203, %dma_start3A_204, %dma_start3A_205] : memref<16x1x128x128xf32, #tpu.memory_space<hbm>> -> memref<1x1x128x128xf32, #tpu.memory_space<hbm>>
      %dma_start3A_207 = tpu.memref_squeeze %dma_start3A_206 : memref<1x1x128x128xf32, #tpu.memory_space<hbm>> -> memref<128x128xf32, #tpu.memory_space<hbm>>
      %dma_start3A_208 = arith.constant 0 : i32
      %dma_start3A_209 = arith.constant 0 : i32
      %dma_start3A_210 = tpu.memref_slice %arg2[%add3A, %dma_start3A_203, %dma_start3A_208, %dma_start3A_209] : memref<16x1x128x128xf32, #tpu.memory_space<hbm>> -> memref<1x1x128x128xf32, #tpu.memory_space<hbm>>
      %dma_start3A_211 = tpu.memref_squeeze %dma_start3A_210 : memref<1x1x128x128xf32, #tpu.memory_space<hbm>> -> memref<128x128xf32, #tpu.memory_space<hbm>>
      tpu.enqueue_dma source(%dma_start3A_211 : memref<128x128xf32, #tpu.memory_space<hbm>>) target(%arg6 : memref<128x128xf32, #tpu.memory_space<vmem>>) target_semaphore(%arg17 : memref<!tpu.dma_semaphore, #tpu.memory_space<semaphore_mem>>)
      %multiple_of3A_212 = tpu.assume_multiple %min3A_7, 8 : i32
      %dma_start3A_213 = tpu.memref_slice %arg4[%multiple_of3A_212] : memref<24000xi32, #tpu.memory_space<hbm>> -> memref<512xi32, #tpu.memory_space<hbm>>
      %dma_start3A_214 = tpu.memref_slice %arg4[%multiple_of3A_212] : memref<24000xi32, #tpu.memory_space<hbm>> -> memref<512xi32, #tpu.memory_space<hbm>>
      tpu.enqueue_dma source(%dma_start3A_214 : memref<512xi32, #tpu.memory_space<hbm>>) target(%arg7 : memref<512xi32, #tpu.memory_space<vmem>>) target_semaphore(%arg16 : memref<!tpu.dma_semaphore, #tpu.memory_space<semaphore_mem>>)
    } else {
    }
    %eq3A_83 = arith.constant 15 : i32
    %eq3A_84 = arith.cmpi eq, %arg1, %eq3A_83 : i32
    %convert_element_type3A_85 = arith.extui %eq3A_84 : i1 to i32
    %cond3A_86 = arith.constant 0 : i32
    %cond3A_87 = arith.cmpi ne, %convert_element_type3A_85, %cond3A_86 : i32
    scf.if %cond3A_87 {
      %dma_start3A_203 = arith.constant 0 : i32
      %dma_start3A_204 = arith.constant 0 : i32
      %dma_start3A_205 = arith.constant 0 : i32
      %dma_start3A_206 = tpu.memref_slice %arg3[%add3A, %dma_start3A_203, %dma_start3A_204, %dma_start3A_205] : memref<16x1x128x128xf32, #tpu.memory_space<hbm>> -> memref<1x1x128x128xf32, #tpu.memory_space<hbm>>
      %dma_start3A_207 = tpu.memref_squeeze %dma_start3A_206 : memref<1x1x128x128xf32, #tpu.memory_space<hbm>> -> memref<128x128xf32, #tpu.memory_space<hbm>>
      %dma_start3A_208 = arith.constant 0 : i32
      %dma_start3A_209 = arith.constant 0 : i32
      %dma_start3A_210 = tpu.memref_slice %arg3[%add3A, %dma_start3A_203, %dma_start3A_208, %dma_start3A_209] : memref<16x1x128x128xf32, #tpu.memory_space<hbm>> -> memref<1x1x128x128xf32, #tpu.memory_space<hbm>>
      %dma_start3A_211 = tpu.memref_squeeze %dma_start3A_210 : memref<1x1x128x128xf32, #tpu.memory_space<hbm>> -> memref<128x128xf32, #tpu.memory_space<hbm>>
      tpu.enqueue_dma source(%dma_start3A_211 : memref<128x128xf32, #tpu.memory_space<hbm>>) target(%arg6 : memref<128x128xf32, #tpu.memory_space<vmem>>) target_semaphore(%arg17 : memref<!tpu.dma_semaphore, #tpu.memory_space<semaphore_mem>>)
      %add3A_212 = arith.constant 8000 : i32
      %add3A_213 = arith.addi %add3A_212, %min3A_7 : i32
      %multiple_of3A_214 = tpu.assume_multiple %add3A_213, 8 : i32
      %dma_start3A_215 = tpu.memref_slice %arg4[%multiple_of3A_214] : memref<24000xi32, #tpu.memory_space<hbm>> -> memref<512xi32, #tpu.memory_space<hbm>>
      %dma_start3A_216 = tpu.memref_slice %arg4[%multiple_of3A_214] : memref<24000xi32, #tpu.memory_space<hbm>> -> memref<512xi32, #tpu.memory_space<hbm>>
      tpu.enqueue_dma source(%dma_start3A_216 : memref<512xi32, #tpu.memory_space<hbm>>) target(%arg7 : memref<512xi32, #tpu.memory_space<vmem>>) target_semaphore(%arg16 : memref<!tpu.dma_semaphore, #tpu.memory_space<semaphore_mem>>)
    } else {
    }
    %dma_wait3A = tpu.memref_slice %arg4[%multiple_of3A] : memref<24000xi32, #tpu.memory_space<hbm>> -> memref<512xi32, #tpu.memory_space<hbm>>
    %dma_wait3A_88 = tpu.memref_slice %arg4[%multiple_of3A] : memref<24000xi32, #tpu.memory_space<hbm>> -> memref<512xi32, #tpu.memory_space<hbm>>
    tpu.wait_dma2 semaphore(%arg16 : memref<!tpu.dma_semaphore, #tpu.memory_space<semaphore_mem>>) src(%dma_wait3A_88 : memref<512xi32, #tpu.memory_space<hbm>>) dst(%arg8 : memref<512xi32, #tpu.memory_space<vmem>>)
    %dma_wait3A_89 = tpu.memref_slice %arg4[%multiple_of3A] : memref<24000xi32, #tpu.memory_space<hbm>> -> memref<512xi32, #tpu.memory_space<hbm>>
    %dma_wait3A_90 = tpu.memref_slice %arg4[%multiple_of3A] : memref<24000xi32, #tpu.memory_space<hbm>> -> memref<512xi32, #tpu.memory_space<hbm>>
    tpu.wait_dma2 semaphore(%arg16 : memref<!tpu.dma_semaphore, #tpu.memory_space<semaphore_mem>>) src(%dma_wait3A_90 : memref<512xi32, #tpu.memory_space<hbm>>) dst(%arg7 : memref<512xi32, #tpu.memory_space<vmem>>)
    %add3A_91 = arith.constant 499 : i32
    %add3A_92 = arith.addi %sub3A, %add3A_91 : i32
    %scan3A = arith.constant 0 : i32
    %scan3A_93 = arith.constant 0 : i32
    %scan3A_94 = arith.constant 32 : i32
    %scan3A_95 = arith.addi %scan3A_93, %scan3A_94 : i32
    %scan3A_96 = arith.constant 1 : i32
    %scan3A_97 = scf.for %scan3A_203 = %scan3A_93 to %scan3A_95 step %scan3A_96 iter_args(%scan3A_204 = %scan3A) -> (i32)  : i32 {
      %mul3A_205 = arith.constant 16 : i32
      %mul3A_206 = arith.muli %scan3A_203, %mul3A_205 : i32
      %add3A_207 = vector.broadcast %mul3A_206 : i32 to vector<16xi32>
      %add3A_208 = arith.addi %add3A_207, %iota3A : vector<16xi32>
      %convert_element_type3A_209 = arith.sitofp %add3A_208 : vector<16xi32> to vector<16xf32>
      %mul3A_210 = arith.constant 2.000000e+00 : f32
      %mul3A_211 = vector.broadcast %mul3A_210 : f32 to vector<16xf32>
      %mul3A_212 = arith.mulf %mul3A_211, %convert_element_type3A_209 : vector<16xf32>
      %add3A_213 = arith.constant 2.000000e+06 : f32
      %add3A_214 = vector.broadcast %add3A_213 : f32 to vector<16xf32>
      %add3A_215 = arith.addf %add3A_214, %mul3A_212 : vector<16xf32>
      tpu.vector_store_idx %arg13[%add3A_208], %add3A_215 : memref<528xf32, #tpu.memory_space<vmem>>[vector<16xi32>], vector<16xf32>,
      %broadcast_in_dim3A_216 = vector.broadcast %sub3A : i32 to vector<16xi32>
      %add3A_217 = arith.addi %broadcast_in_dim3A_216, %add3A_208 : vector<16xi32>
      %min3A_218 = vector.broadcast %add3A_92 : i32 to vector<16xi32>
      %min3A_219 = arith.minsi %add3A_217, %min3A_218 : vector<16xi32>
      %gather3A = tpu.vector_load_idx %arg8[%min3A_219] : memref<512xi32, #tpu.memory_space<vmem>>[vector<16xi32>], vector<16xi32>,
      %gt3A = arith.constant 0 : i32
      %gt3A_220 = vector.broadcast %gt3A : i32 to vector<16xi32>
      %gt3A_221 = arith.cmpi sgt, %gather3A, %gt3A_220 : vector<16xi32>
      %lt3A = arith.constant 500 : i32
      %lt3A_222 = vector.broadcast %lt3A : i32 to vector<16xi32>
      %lt3A_223 = arith.cmpi slt, %add3A_208, %lt3A_222 : vector<16xi32>
      %and3A_224 = arith.andi %gt3A_221, %lt3A_223 : vector<16xi1>
      %jit3A_225 = arith.constant 0 : i32
      %broadcast_in_dim3A_226 = vector.broadcast %jit3A_225 : i32 to vector<16xi32>
      %select_n3A_227 = arith.select %and3A_224, %gather3A, %broadcast_in_dim3A_226 : vector<16xi1>, vector<16xi32>
      %convert_element_type3A_228 = arith.sitofp %select_n3A_227 : vector<16xi32> to vector<16xf32>
      tpu.vector_store_idx %arg10[%add3A_208], %convert_element_type3A_228 : memref<512xf32, #tpu.memory_space<vmem>>[vector<16xi32>], vector<16xf32>,
      %cumsum3A = arith.constant true
      %cumsum3A_229 = vector.broadcast %cumsum3A : i1 to vector<16xi1>
      %cumsum3A_230 = tpu.scan <sum>, %select_n3A_227 masked %cumsum3A_229 : vector<16xi32>, vector<16xi1> -> vector<16xi32>
      %add3A_231 = vector.broadcast %scan3A_204 : i32 to vector<16xi32>
      %add3A_232 = arith.addi %add3A_231, %cumsum3A_230 : vector<16xi32>
      %sub3A_233 = arith.constant 1 : i32
      %sub3A_234 = vector.broadcast %sub3A_233 : i32 to vector<16xi32>
      %sub3A_235 = arith.subi %add3A_232, %sub3A_234 : vector<16xi32>
      %add3A_236 = arith.constant 512 : i32
      %add3A_237 = vector.broadcast %add3A_236 : i32 to vector<16xi32>
      %add3A_238 = arith.addi %add3A_237, %iota3A : vector<16xi32>
      %select_n3A_239 = arith.select %and3A_224, %sub3A_235, %add3A_238 : vector<16xi1>, vector<16xi32>
      tpu.vector_store_idx %arg9[%add3A_208], %select_n3A_239 : memref<512xi32, #tpu.memory_space<vmem>>[vector<16xi32>], vector<16xi32>,
      %reduce_sum3A_240 = arith.constant true
      %reduce_sum3A_241 = vector.broadcast %reduce_sum3A_240 : i1 to vector<16xi1>
      %reduce_sum3A_242 = tpu.scan <sum>, %select_n3A_227 masked %reduce_sum3A_241 : vector<16xi32>, vector<16xi1> -> vector<16xi32>
      %reduce_sum3A_243 = vector.extract %reduce_sum3A_242[15] : i32 from vector<16xi32>
      %add3A_244 = arith.addi %scan3A_204, %reduce_sum3A_243 : i32
      scf.yield %add3A_244 : i32
    }
    %scan3A_98 = arith.constant 32 : i32
    %dma_wait3A_99 = arith.constant 0 : i32
    %dma_wait3A_100 = arith.constant 0 : i32
    %dma_wait3A_101 = arith.constant 0 : i32
    %dma_wait3A_102 = tpu.memref_slice %arg2[%add3A, %dma_wait3A_99, %dma_wait3A_100, %dma_wait3A_101] : memref<16x1x128x128xf32, #tpu.memory_space<hbm>> -> memref<1x1x128x128xf32, #tpu.memory_space<hbm>>
    %dma_wait3A_103 = tpu.memref_squeeze %dma_wait3A_102 : memref<1x1x128x128xf32, #tpu.memory_space<hbm>> -> memref<128x128xf32, #tpu.memory_space<hbm>>
    %dma_wait3A_104 = arith.constant 0 : i32
    %dma_wait3A_105 = arith.constant 0 : i32
    %dma_wait3A_106 = tpu.memref_slice %arg2[%add3A, %dma_wait3A_99, %dma_wait3A_104, %dma_wait3A_105] : memref<16x1x128x128xf32, #tpu.memory_space<hbm>> -> memref<1x1x128x128xf32, #tpu.memory_space<hbm>>
    %dma_wait3A_107 = tpu.memref_squeeze %dma_wait3A_106 : memref<1x1x128x128xf32, #tpu.memory_space<hbm>> -> memref<128x128xf32, #tpu.memory_space<hbm>>
    tpu.wait_dma2 semaphore(%arg17 : memref<!tpu.dma_semaphore, #tpu.memory_space<semaphore_mem>>) src(%dma_wait3A_107 : memref<128x128xf32, #tpu.memory_space<hbm>>) dst(%arg6 : memref<128x128xf32, #tpu.memory_space<vmem>>)
    %scan3A_108 = arith.constant 0 : i32
    %scan3A_109 = arith.constant 0 : i32
    %scan3A_110 = arith.constant 32 : i32
    %scan3A_111 = arith.addi %scan3A_109, %scan3A_110 : i32
    %scan3A_112 = arith.constant 1 : i32
    scf.for %scan3A_203 = %scan3A_109 to %scan3A_111 step %scan3A_112  : i32 {
      %mul3A_204 = arith.constant 16 : i32
      %mul3A_205 = arith.muli %scan3A_203, %mul3A_204 : i32
      %add3A_206 = vector.broadcast %mul3A_205 : i32 to vector<16xi32>
      %add3A_207 = arith.addi %add3A_206, %iota3A : vector<16xi32>
      %broadcast_in_dim3A_208 = vector.broadcast %sub3A : i32 to vector<16xi32>
      %add3A_209 = arith.addi %broadcast_in_dim3A_208, %add3A_207 : vector<16xi32>
      %min3A_210 = vector.broadcast %add3A_92 : i32 to vector<16xi32>
      %min3A_211 = arith.minsi %add3A_209, %min3A_210 : vector<16xi32>
      %gather3A = tpu.vector_load_idx %arg7[%min3A_211] : memref<512xi32, #tpu.memory_space<vmem>>[vector<16xi32>], vector<16xi32>,
      %shift_right_arithmetic3A_212 = arith.constant 7 : i32
      %shift_right_arithmetic3A_213 = vector.broadcast %shift_right_arithmetic3A_212 : i32 to vector<16xi32>
      %shift_right_arithmetic3A_214 = arith.shrsi %gather3A, %shift_right_arithmetic3A_213 : vector<16xi32>
      %and3A_215 = arith.constant 127 : i32
      %and3A_216 = vector.broadcast %and3A_215 : i32 to vector<16xi32>
      %and3A_217 = arith.andi %gather3A, %and3A_216 : vector<16xi32>
      %gather3A_218 = tpu.vector_load_idx %arg6[%shift_right_arithmetic3A_214, %and3A_217] : memref<128x128xf32, #tpu.memory_space<vmem>>[vector<16xi32>, vector<16xi32>], vector<16xf32>,
      tpu.vector_store_idx %arg11[%add3A_207], %gather3A_218 : memref<512xf32, #tpu.memory_space<vmem>>[vector<16xi32>], vector<16xf32>,
    }
    %scan3A_113 = arith.constant 32 : i32
    "tpu.region"() ({
      %run_scoped3A = tpu.sem_alloc : memref<!tpu.dma_semaphore, #tpu.memory_space<semaphore_mem>>
      %dma_start3A_203 = arith.constant 0 : i32
      %dma_start3A_204 = tpu.memref_slice %arg15[%arg1, %dma_start3A_203] : memref<16x512xf32, #tpu.memory_space<vmem_shared>> -> memref<1x512xf32, #tpu.memory_space<vmem_shared>>
      %dma_start3A_205 = tpu.memref_squeeze %dma_start3A_204 : memref<1x512xf32, #tpu.memory_space<vmem_shared>> -> memref<512xf32, #tpu.memory_space<vmem_shared>>
      %dma_start3A_206 = arith.constant 0 : i32
      %dma_start3A_207 = tpu.memref_slice %arg15[%arg1, %dma_start3A_206] : memref<16x512xf32, #tpu.memory_space<vmem_shared>> -> memref<1x512xf32, #tpu.memory_space<vmem_shared>>
      %dma_start3A_208 = tpu.memref_squeeze %dma_start3A_207 : memref<1x512xf32, #tpu.memory_space<vmem_shared>> -> memref<512xf32, #tpu.memory_space<vmem_shared>>
      tpu.enqueue_dma source(%arg11 : memref<512xf32, #tpu.memory_space<vmem>>) target(%dma_start3A_208 : memref<512xf32, #tpu.memory_space<vmem_shared>>) target_semaphore(%run_scoped3A : memref<!tpu.dma_semaphore, #tpu.memory_space<semaphore_mem>>)
      %dma_wait3A_209 = arith.constant 0 : i32
      %dma_wait3A_210 = tpu.memref_slice %arg15[%arg1, %dma_wait3A_209] : memref<16x512xf32, #tpu.memory_space<vmem_shared>> -> memref<1x512xf32, #tpu.memory_space<vmem_shared>>
      %dma_wait3A_211 = tpu.memref_squeeze %dma_wait3A_210 : memref<1x512xf32, #tpu.memory_space<vmem_shared>> -> memref<512xf32, #tpu.memory_space<vmem_shared>>
      %dma_wait3A_212 = arith.constant 0 : i32
      %dma_wait3A_213 = tpu.memref_slice %arg15[%arg1, %dma_wait3A_212] : memref<16x512xf32, #tpu.memory_space<vmem_shared>> -> memref<1x512xf32, #tpu.memory_space<vmem_shared>>
      %dma_wait3A_214 = tpu.memref_squeeze %dma_wait3A_213 : memref<1x512xf32, #tpu.memory_space<vmem_shared>> -> memref<512xf32, #tpu.memory_space<vmem_shared>>
      tpu.wait_dma2 semaphore(%run_scoped3A : memref<!tpu.dma_semaphore, #tpu.memory_space<semaphore_mem>>) src(%arg11 : memref<512xf32, #tpu.memory_space<vmem>>) dst(%dma_wait3A_214 : memref<512xf32, #tpu.memory_space<vmem_shared>>)
      tpu.yield
    }) : () -> ()
    %barrier3A = arith.constant 0 : index
    tpu.barrier barrier_id(%barrier3A)
    %xor3A = arith.constant 1 : i32
    %xor3A_114 = arith.xori %arg1, %xor3A : i32
    "tpu.region"() ({
      %run_scoped3A = tpu.sem_alloc : memref<!tpu.dma_semaphore, #tpu.memory_space<semaphore_mem>>
      %dma_start3A_203 = arith.constant 0 : i32
      %dma_start3A_204 = tpu.memref_slice %arg15[%xor3A_114, %dma_start3A_203] : memref<16x512xf32, #tpu.memory_space<vmem_shared>> -> memref<1x512xf32, #tpu.memory_space<vmem_shared>>
      %dma_start3A_205 = tpu.memref_squeeze %dma_start3A_204 : memref<1x512xf32, #tpu.memory_space<vmem_shared>> -> memref<512xf32, #tpu.memory_space<vmem_shared>>
      %dma_start3A_206 = arith.constant 0 : i32
      %dma_start3A_207 = tpu.memref_slice %arg15[%xor3A_114, %dma_start3A_206] : memref<16x512xf32, #tpu.memory_space<vmem_shared>> -> memref<1x512xf32, #tpu.memory_space<vmem_shared>>
      %dma_start3A_208 = tpu.memref_squeeze %dma_start3A_207 : memref<1x512xf32, #tpu.memory_space<vmem_shared>> -> memref<512xf32, #tpu.memory_space<vmem_shared>>
      tpu.enqueue_dma source(%dma_start3A_208 : memref<512xf32, #tpu.memory_space<vmem_shared>>) target(%arg12 : memref<512xf32, #tpu.memory_space<vmem>>) target_semaphore(%run_scoped3A : memref<!tpu.dma_semaphore, #tpu.memory_space<semaphore_mem>>)
      %dma_wait3A_209 = arith.constant 0 : i32
      %dma_wait3A_210 = tpu.memref_slice %arg15[%xor3A_114, %dma_wait3A_209] : memref<16x512xf32, #tpu.memory_space<vmem_shared>> -> memref<1x512xf32, #tpu.memory_space<vmem_shared>>
      %dma_wait3A_211 = tpu.memref_squeeze %dma_wait3A_210 : memref<1x512xf32, #tpu.memory_space<vmem_shared>> -> memref<512xf32, #tpu.memory_space<vmem_shared>>
      %dma_wait3A_212 = arith.constant 0 : i32
      %dma_wait3A_213 = tpu.memref_slice %arg15[%xor3A_114, %dma_wait3A_212] : memref<16x512xf32, #tpu.memory_space<vmem_shared>> -> memref<1x512xf32, #tpu.memory_space<vmem_shared>>
      %dma_wait3A_214 = tpu.memref_squeeze %dma_wait3A_213 : memref<1x512xf32, #tpu.memory_space<vmem_shared>> -> memref<512xf32, #tpu.memory_space<vmem_shared>>
      tpu.wait_dma2 semaphore(%run_scoped3A : memref<!tpu.dma_semaphore, #tpu.memory_space<semaphore_mem>>) src(%dma_wait3A_214 : memref<512xf32, #tpu.memory_space<vmem_shared>>) dst(%arg12 : memref<512xf32, #tpu.memory_space<vmem>>)
      tpu.yield
    }) : () -> ()
    %broadcast_in_dim3A = arith.constant 0.000000e+00 : f32
    %broadcast_in_dim3A_115 = vector.broadcast %broadcast_in_dim3A : f32 to vector<16xf32>
    %scan3A_116 = arith.constant 0 : i32
    %scan3A_117 = arith.constant 32 : i32
    %scan3A_118 = arith.addi %scan3A_116, %scan3A_117 : i32
    %scan3A_119 = arith.constant 1 : i32
    %scan3A_120 = scf.for %scan3A_203 = %scan3A_116 to %scan3A_118 step %scan3A_119 iter_args(%scan3A_204 = %broadcast_in_dim3A_115) -> (vector<16xf32>)  : i32 {
      %mul3A_205 = arith.constant 16 : i32
      %mul3A_206 = arith.muli %scan3A_203, %mul3A_205 : i32
      %add3A_207 = vector.broadcast %mul3A_206 : i32 to vector<16xi32>
      %add3A_208 = arith.addi %add3A_207, %iota3A : vector<16xi32>
      %gather3A = tpu.vector_load_idx %arg11[%add3A_208] : memref<512xf32, #tpu.memory_space<vmem>>[vector<16xi32>], vector<16xf32>,
      %gather3A_209 = tpu.vector_load_idx %arg12[%add3A_208] : memref<512xf32, #tpu.memory_space<vmem>>[vector<16xi32>], vector<16xf32>,
      %add3A_210 = arith.addf %gather3A, %gather3A_209 : vector<16xf32>
      %mul3A_211 = arith.constant 5.000000e-01 : f32
      %mul3A_212 = vector.broadcast %mul3A_211 : f32 to vector<16xf32>
      %mul3A_213 = arith.mulf %add3A_210, %mul3A_212 : vector<16xf32>
      %sub3A_214 = arith.subf %gather3A, %gather3A_209 : vector<16xf32>
      %gather3A_215 = tpu.vector_load_idx %arg9[%add3A_208] : memref<512xi32, #tpu.memory_space<vmem>>[vector<16xi32>], vector<16xi32>,
      tpu.vector_store_idx %arg13[%gather3A_215], %mul3A_213 : memref<528xf32, #tpu.memory_space<vmem>>[vector<16xi32>], vector<16xf32>,
      %gather3A_216 = tpu.vector_load_idx %arg10[%add3A_208] : memref<512xf32, #tpu.memory_space<vmem>>[vector<16xi32>], vector<16xf32>,
      %mul3A_217 = arith.mulf %sub3A_214, %sub3A_214 : vector<16xf32>
      %mul3A_218 = arith.mulf %gather3A_216, %mul3A_217 : vector<16xf32>
      %add3A_219 = arith.addf %scan3A_204, %mul3A_218 : vector<16xf32>
      scf.yield %add3A_219 : vector<16xf32>
    }
    %scan3A_121 = arith.constant 32 : i32
    %reduce_sum3A = arith.constant true
    %reduce_sum3A_122 = vector.broadcast %reduce_sum3A : i1 to vector<16xi1>
    %reduce_sum3A_123 = tpu.scan <sum>, %scan3A_120 masked %reduce_sum3A_122 : vector<16xf32>, vector<16xi1> -> vector<16xf32>
    %reduce_sum3A_124 = vector.extract %reduce_sum3A_123[15] : f32 from vector<16xf32>
    %add3A_125 = arith.constant 16 : i32
    %add3A_126 = arith.addi %scan3A_97, %add3A_125 : i32
    %sub3A_127 = arith.constant 1 : i32
    %sub3A_128 = arith.subi %add3A_126, %sub3A_127 : i32
    %shift_right_arithmetic3A_129 = arith.constant 4 : i32
    %shift_right_arithmetic3A_130 = arith.shrsi %sub3A_128, %shift_right_arithmetic3A_129 : i32
    %sub3A_131 = arith.subi %shift_right_arithmetic3A_130, %and3A_2 : i32
    %add3A_132 = arith.constant 1 : i32
    %add3A_133 = arith.addi %sub3A_131, %add3A_132 : i32
    %shift_right_arithmetic3A_134 = arith.constant 1 : i32
    %shift_right_arithmetic3A_135 = arith.shrsi %add3A_133, %shift_right_arithmetic3A_134 : i32
    %broadcast_in_dim3A_136 = arith.constant 0.000000e+00 : f32
    %broadcast_in_dim3A_137 = vector.broadcast %broadcast_in_dim3A_136 : f32 to vector<16xf32>
    %while3A = arith.constant 0 : i32
    %while3A_138 = arith.subi %shift_right_arithmetic3A_135, %while3A : i32
    %while3A_139 = arith.addi %while3A, %while3A_138 : i32
    %while3A_140 = arith.constant 1 : i32
    %while3A_141 = arith.divsi %while3A_138, %while3A_140 : i32
    %while3A_142 = arith.muli %while3A_141, %while3A_140 : i32
    %while3A_143 = arith.addi %while3A, %while3A_142 : i32
    %while3A_144 = arith.constant 1 : i32
    %while3A_145:4 = scf.for %while3A_203 = %while3A to %while3A_143 step %while3A_144 iter_args(%while3A_204 = %broadcast_in_dim3A_137, %while3A_205 = %broadcast_in_dim3A_137, %while3A_206 = %broadcast_in_dim3A_137, %while3A_207 = %broadcast_in_dim3A_137) -> (vector<16xf32>, vector<16xf32>, vector<16xf32>, vector<16xf32>)  : i32 {
      %mul3A_208 = arith.constant 2 : i32
      %mul3A_209 = arith.muli %mul3A_208, %while3A_203 : i32
      %add3A_210 = arith.addi %mul3A_209, %and3A_2 : i32
      %mul3A_211 = arith.constant 16 : i32
      %mul3A_212 = arith.muli %add3A_210, %mul3A_211 : i32
      %broadcast_in_dim3A_213 = vector.broadcast %mul3A_212 : i32 to vector<16xi32>
      %add3A_214 = arith.addi %broadcast_in_dim3A_213, %iota3A : vector<16xi32>
      %gather3A = tpu.vector_load_idx %arg13[%add3A_214] : memref<528xf32, #tpu.memory_space<vmem>>[vector<16xi32>], vector<16xf32>,
      %add3A_215 = arith.addi %broadcast_in_dim3A_213, %iota3A : vector<16xi32>
      %lt3A = vector.broadcast %scan3A_97 : i32 to vector<16xi32>
      %lt3A_216 = arith.cmpi slt, %add3A_215, %lt3A : vector<16xi32>
      %add3A_217 = arith.constant 0 : i32
      %add3A_218 = arith.addi %mul3A_212, %add3A_217 : i32
      %broadcast_in_dim3A_219 = vector.broadcast %add3A_218 : i32 to vector<16xi32>
      %gather3A_220 = tpu.vector_load_idx %arg13[%broadcast_in_dim3A_219] : memref<528xf32, #tpu.memory_space<vmem>>[vector<16xi32>], vector<16xf32>,
      %add3A_221 = arith.constant 1 : i32
      %add3A_222 = arith.addi %mul3A_212, %add3A_221 : i32
      %broadcast_in_dim3A_223 = vector.broadcast %add3A_222 : i32 to vector<16xi32>
      %gather3A_224 = tpu.vector_load_idx %arg13[%broadcast_in_dim3A_223] : memref<528xf32, #tpu.memory_space<vmem>>[vector<16xi32>], vector<16xf32>,
      %add3A_225 = arith.constant 2 : i32
      %add3A_226 = arith.addi %mul3A_212, %add3A_225 : i32
      %broadcast_in_dim3A_227 = vector.broadcast %add3A_226 : i32 to vector<16xi32>
      %gather3A_228 = tpu.vector_load_idx %arg13[%broadcast_in_dim3A_227] : memref<528xf32, #tpu.memory_space<vmem>>[vector<16xi32>], vector<16xf32>,
      %add3A_229 = arith.constant 3 : i32
      %add3A_230 = arith.addi %mul3A_212, %add3A_229 : i32
      %broadcast_in_dim3A_231 = vector.broadcast %add3A_230 : i32 to vector<16xi32>
      %gather3A_232 = tpu.vector_load_idx %arg13[%broadcast_in_dim3A_231] : memref<528xf32, #tpu.memory_space<vmem>>[vector<16xi32>], vector<16xf32>,
      %add3A_233 = arith.constant 4 : i32
      %add3A_234 = arith.addi %mul3A_212, %add3A_233 : i32
      %broadcast_in_dim3A_235 = vector.broadcast %add3A_234 : i32 to vector<16xi32>
      %gather3A_236 = tpu.vector_load_idx %arg13[%broadcast_in_dim3A_235] : memref<528xf32, #tpu.memory_space<vmem>>[vector<16xi32>], vector<16xf32>,
      %add3A_237 = arith.constant 5 : i32
      %add3A_238 = arith.addi %mul3A_212, %add3A_237 : i32
      %broadcast_in_dim3A_239 = vector.broadcast %add3A_238 : i32 to vector<16xi32>
      %gather3A_240 = tpu.vector_load_idx %arg13[%broadcast_in_dim3A_239] : memref<528xf32, #tpu.memory_space<vmem>>[vector<16xi32>], vector<16xf32>,
      %add3A_241 = arith.constant 6 : i32
      %add3A_242 = arith.addi %mul3A_212, %add3A_241 : i32
      %broadcast_in_dim3A_243 = vector.broadcast %add3A_242 : i32 to vector<16xi32>
      %gather3A_244 = tpu.vector_load_idx %arg13[%broadcast_in_dim3A_243] : memref<528xf32, #tpu.memory_space<vmem>>[vector<16xi32>], vector<16xf32>,
      %add3A_245 = arith.constant 7 : i32
      %add3A_246 = arith.addi %mul3A_212, %add3A_245 : i32
      %broadcast_in_dim3A_247 = vector.broadcast %add3A_246 : i32 to vector<16xi32>
      %gather3A_248 = tpu.vector_load_idx %arg13[%broadcast_in_dim3A_247] : memref<528xf32, #tpu.memory_space<vmem>>[vector<16xi32>], vector<16xf32>,
      %add3A_249 = arith.constant 8 : i32
      %add3A_250 = arith.addi %mul3A_212, %add3A_249 : i32
      %broadcast_in_dim3A_251 = vector.broadcast %add3A_250 : i32 to vector<16xi32>
      %gather3A_252 = tpu.vector_load_idx %arg13[%broadcast_in_dim3A_251] : memref<528xf32, #tpu.memory_space<vmem>>[vector<16xi32>], vector<16xf32>,
      %add3A_253 = arith.constant 9 : i32
      %add3A_254 = arith.addi %mul3A_212, %add3A_253 : i32
      %broadcast_in_dim3A_255 = vector.broadcast %add3A_254 : i32 to vector<16xi32>
      %gather3A_256 = tpu.vector_load_idx %arg13[%broadcast_in_dim3A_255] : memref<528xf32, #tpu.memory_space<vmem>>[vector<16xi32>], vector<16xf32>,
      %add3A_257 = arith.constant 10 : i32
      %add3A_258 = arith.addi %mul3A_212, %add3A_257 : i32
      %broadcast_in_dim3A_259 = vector.broadcast %add3A_258 : i32 to vector<16xi32>
      %gather3A_260 = tpu.vector_load_idx %arg13[%broadcast_in_dim3A_259] : memref<528xf32, #tpu.memory_space<vmem>>[vector<16xi32>], vector<16xf32>,
      %add3A_261 = arith.constant 11 : i32
      %add3A_262 = arith.addi %mul3A_212, %add3A_261 : i32
      %broadcast_in_dim3A_263 = vector.broadcast %add3A_262 : i32 to vector<16xi32>
      %gather3A_264 = tpu.vector_load_idx %arg13[%broadcast_in_dim3A_263] : memref<528xf32, #tpu.memory_space<vmem>>[vector<16xi32>], vector<16xf32>,
      %add3A_265 = arith.constant 12 : i32
      %add3A_266 = arith.addi %mul3A_212, %add3A_265 : i32
      %broadcast_in_dim3A_267 = vector.broadcast %add3A_266 : i32 to vector<16xi32>
      %gather3A_268 = tpu.vector_load_idx %arg13[%broadcast_in_dim3A_267] : memref<528xf32, #tpu.memory_space<vmem>>[vector<16xi32>], vector<16xf32>,
      %add3A_269 = arith.constant 13 : i32
      %add3A_270 = arith.addi %mul3A_212, %add3A_269 : i32
      %broadcast_in_dim3A_271 = vector.broadcast %add3A_270 : i32 to vector<16xi32>
      %gather3A_272 = tpu.vector_load_idx %arg13[%broadcast_in_dim3A_271] : memref<528xf32, #tpu.memory_space<vmem>>[vector<16xi32>], vector<16xf32>,
      %add3A_273 = arith.constant 14 : i32
      %add3A_274 = arith.addi %mul3A_212, %add3A_273 : i32
      %broadcast_in_dim3A_275 = vector.broadcast %add3A_274 : i32 to vector<16xi32>
      %gather3A_276 = tpu.vector_load_idx %arg13[%broadcast_in_dim3A_275] : memref<528xf32, #tpu.memory_space<vmem>>[vector<16xi32>], vector<16xf32>,
      %add3A_277 = arith.constant 15 : i32
      %add3A_278 = arith.addi %mul3A_212, %add3A_277 : i32
      %broadcast_in_dim3A_279 = vector.broadcast %add3A_278 : i32 to vector<16xi32>
      %gather3A_280 = tpu.vector_load_idx %arg13[%broadcast_in_dim3A_279] : memref<528xf32, #tpu.memory_space<vmem>>[vector<16xi32>], vector<16xf32>,
      %sub3A_281 = arith.subf %gather3A, %gather3A_220 : vector<16xf32>
      %abs3A = math.absf %sub3A_281 : vector<16xf32>
      %sub3A_282 = arith.constant 1.000000e+00 : f32
      %sub3A_283 = vector.broadcast %sub3A_282 : f32 to vector<16xf32>
      %sub3A_284 = arith.subf %sub3A_283, %abs3A : vector<16xf32>
      %max3A = arith.constant 0.000000e+00 : f32
      %max3A_285 = vector.broadcast %max3A : f32 to vector<16xf32>
      %max3A_286 = arith.maximumf %sub3A_284, %max3A_285 : vector<16xf32>
      %ge3A = arith.constant 0 : i32
      %ge3A_287 = vector.broadcast %ge3A : i32 to vector<16xi32>
      %ge3A_288 = arith.cmpi sge, %iota3A, %ge3A_287 : vector<16xi32>
      %and3A_289 = arith.andi %ge3A_288, %lt3A_216 : vector<16xi1>
      %jit3A_290 = arith.constant 0.000000e+00 : f32
      %broadcast_in_dim3A_291 = vector.broadcast %jit3A_290 : f32 to vector<16xf32>
      %select_n3A_292 = arith.select %and3A_289, %max3A_286, %broadcast_in_dim3A_291 : vector<16xi1>, vector<16xf32>
      %add3A_293 = arith.addf %while3A_204, %select_n3A_292 : vector<16xf32>
      %sub3A_294 = arith.subf %gather3A, %gather3A_224 : vector<16xf32>
      %abs3A_295 = math.absf %sub3A_294 : vector<16xf32>
      %sub3A_296 = arith.constant 1.000000e+00 : f32
      %sub3A_297 = vector.broadcast %sub3A_296 : f32 to vector<16xf32>
      %sub3A_298 = arith.subf %sub3A_297, %abs3A_295 : vector<16xf32>
      %max3A_299 = arith.constant 0.000000e+00 : f32
      %max3A_300 = vector.broadcast %max3A_299 : f32 to vector<16xf32>
      %max3A_301 = arith.maximumf %sub3A_298, %max3A_300 : vector<16xf32>
      %ge3A_302 = arith.constant 1 : i32
      %ge3A_303 = vector.broadcast %ge3A_302 : i32 to vector<16xi32>
      %ge3A_304 = arith.cmpi sge, %iota3A, %ge3A_303 : vector<16xi32>
      %and3A_305 = arith.andi %ge3A_304, %lt3A_216 : vector<16xi1>
      %jit3A_306 = arith.constant 0.000000e+00 : f32
      %broadcast_in_dim3A_307 = vector.broadcast %jit3A_306 : f32 to vector<16xf32>
      %select_n3A_308 = arith.select %and3A_305, %max3A_301, %broadcast_in_dim3A_307 : vector<16xi1>, vector<16xf32>
      %add3A_309 = arith.addf %while3A_205, %select_n3A_308 : vector<16xf32>
      %sub3A_310 = arith.subf %gather3A, %gather3A_228 : vector<16xf32>
      %abs3A_311 = math.absf %sub3A_310 : vector<16xf32>
      %sub3A_312 = arith.constant 1.000000e+00 : f32
      %sub3A_313 = vector.broadcast %sub3A_312 : f32 to vector<16xf32>
      %sub3A_314 = arith.subf %sub3A_313, %abs3A_311 : vector<16xf32>
      %max3A_315 = arith.constant 0.000000e+00 : f32
      %max3A_316 = vector.broadcast %max3A_315 : f32 to vector<16xf32>
      %max3A_317 = arith.maximumf %sub3A_314, %max3A_316 : vector<16xf32>
      %ge3A_318 = arith.constant 2 : i32
      %ge3A_319 = vector.broadcast %ge3A_318 : i32 to vector<16xi32>
      %ge3A_320 = arith.cmpi sge, %iota3A, %ge3A_319 : vector<16xi32>
      %and3A_321 = arith.andi %ge3A_320, %lt3A_216 : vector<16xi1>
      %jit3A_322 = arith.constant 0.000000e+00 : f32
      %broadcast_in_dim3A_323 = vector.broadcast %jit3A_322 : f32 to vector<16xf32>
      %select_n3A_324 = arith.select %and3A_321, %max3A_317, %broadcast_in_dim3A_323 : vector<16xi1>, vector<16xf32>
      %add3A_325 = arith.addf %while3A_206, %select_n3A_324 : vector<16xf32>
      %sub3A_326 = arith.subf %gather3A, %gather3A_232 : vector<16xf32>
      %abs3A_327 = math.absf %sub3A_326 : vector<16xf32>
      %sub3A_328 = arith.constant 1.000000e+00 : f32
      %sub3A_329 = vector.broadcast %sub3A_328 : f32 to vector<16xf32>
      %sub3A_330 = arith.subf %sub3A_329, %abs3A_327 : vector<16xf32>
      %max3A_331 = arith.constant 0.000000e+00 : f32
      %max3A_332 = vector.broadcast %max3A_331 : f32 to vector<16xf32>
      %max3A_333 = arith.maximumf %sub3A_330, %max3A_332 : vector<16xf32>
      %ge3A_334 = arith.constant 3 : i32
      %ge3A_335 = vector.broadcast %ge3A_334 : i32 to vector<16xi32>
      %ge3A_336 = arith.cmpi sge, %iota3A, %ge3A_335 : vector<16xi32>
      %and3A_337 = arith.andi %ge3A_336, %lt3A_216 : vector<16xi1>
      %jit3A_338 = arith.constant 0.000000e+00 : f32
      %broadcast_in_dim3A_339 = vector.broadcast %jit3A_338 : f32 to vector<16xf32>
      %select_n3A_340 = arith.select %and3A_337, %max3A_333, %broadcast_in_dim3A_339 : vector<16xi1>, vector<16xf32>
      %add3A_341 = arith.addf %while3A_207, %select_n3A_340 : vector<16xf32>
      %sub3A_342 = arith.subf %gather3A, %gather3A_236 : vector<16xf32>
      %abs3A_343 = math.absf %sub3A_342 : vector<16xf32>
      %sub3A_344 = arith.constant 1.000000e+00 : f32
      %sub3A_345 = vector.broadcast %sub3A_344 : f32 to vector<16xf32>
      %sub3A_346 = arith.subf %sub3A_345, %abs3A_343 : vector<16xf32>
      %max3A_347 = arith.constant 0.000000e+00 : f32
      %max3A_348 = vector.broadcast %max3A_347 : f32 to vector<16xf32>
      %max3A_349 = arith.maximumf %sub3A_346, %max3A_348 : vector<16xf32>
      %ge3A_350 = arith.constant 4 : i32
      %ge3A_351 = vector.broadcast %ge3A_350 : i32 to vector<16xi32>
      %ge3A_352 = arith.cmpi sge, %iota3A, %ge3A_351 : vector<16xi32>
      %and3A_353 = arith.andi %ge3A_352, %lt3A_216 : vector<16xi1>
      %jit3A_354 = arith.constant 0.000000e+00 : f32
      %broadcast_in_dim3A_355 = vector.broadcast %jit3A_354 : f32 to vector<16xf32>
      %select_n3A_356 = arith.select %and3A_353, %max3A_349, %broadcast_in_dim3A_355 : vector<16xi1>, vector<16xf32>
      %add3A_357 = arith.addf %add3A_293, %select_n3A_356 : vector<16xf32>
      %sub3A_358 = arith.subf %gather3A, %gather3A_240 : vector<16xf32>
      %abs3A_359 = math.absf %sub3A_358 : vector<16xf32>
      %sub3A_360 = arith.constant 1.000000e+00 : f32
      %sub3A_361 = vector.broadcast %sub3A_360 : f32 to vector<16xf32>
      %sub3A_362 = arith.subf %sub3A_361, %abs3A_359 : vector<16xf32>
      %max3A_363 = arith.constant 0.000000e+00 : f32
      %max3A_364 = vector.broadcast %max3A_363 : f32 to vector<16xf32>
      %max3A_365 = arith.maximumf %sub3A_362, %max3A_364 : vector<16xf32>
      %ge3A_366 = arith.constant 5 : i32
      %ge3A_367 = vector.broadcast %ge3A_366 : i32 to vector<16xi32>
      %ge3A_368 = arith.cmpi sge, %iota3A, %ge3A_367 : vector<16xi32>
      %and3A_369 = arith.andi %ge3A_368, %lt3A_216 : vector<16xi1>
      %jit3A_370 = arith.constant 0.000000e+00 : f32
      %broadcast_in_dim3A_371 = vector.broadcast %jit3A_370 : f32 to vector<16xf32>
      %select_n3A_372 = arith.select %and3A_369, %max3A_365, %broadcast_in_dim3A_371 : vector<16xi1>, vector<16xf32>
      %add3A_373 = arith.addf %add3A_309, %select_n3A_372 : vector<16xf32>
      %sub3A_374 = arith.subf %gather3A, %gather3A_244 : vector<16xf32>
      %abs3A_375 = math.absf %sub3A_374 : vector<16xf32>
      %sub3A_376 = arith.constant 1.000000e+00 : f32
      %sub3A_377 = vector.broadcast %sub3A_376 : f32 to vector<16xf32>
      %sub3A_378 = arith.subf %sub3A_377, %abs3A_375 : vector<16xf32>
      %max3A_379 = arith.constant 0.000000e+00 : f32
      %max3A_380 = vector.broadcast %max3A_379 : f32 to vector<16xf32>
      %max3A_381 = arith.maximumf %sub3A_378, %max3A_380 : vector<16xf32>
      %ge3A_382 = arith.constant 6 : i32
      %ge3A_383 = vector.broadcast %ge3A_382 : i32 to vector<16xi32>
      %ge3A_384 = arith.cmpi sge, %iota3A, %ge3A_383 : vector<16xi32>
      %and3A_385 = arith.andi %ge3A_384, %lt3A_216 : vector<16xi1>
      %jit3A_386 = arith.constant 0.000000e+00 : f32
      %broadcast_in_dim3A_387 = vector.broadcast %jit3A_386 : f32 to vector<16xf32>
      %select_n3A_388 = arith.select %and3A_385, %max3A_381, %broadcast_in_dim3A_387 : vector<16xi1>, vector<16xf32>
      %add3A_389 = arith.addf %add3A_325, %select_n3A_388 : vector<16xf32>
      %sub3A_390 = arith.subf %gather3A, %gather3A_248 : vector<16xf32>
      %abs3A_391 = math.absf %sub3A_390 : vector<16xf32>
      %sub3A_392 = arith.constant 1.000000e+00 : f32
      %sub3A_393 = vector.broadcast %sub3A_392 : f32 to vector<16xf32>
      %sub3A_394 = arith.subf %sub3A_393, %abs3A_391 : vector<16xf32>
      %max3A_395 = arith.constant 0.000000e+00 : f32
      %max3A_396 = vector.broadcast %max3A_395 : f32 to vector<16xf32>
      %max3A_397 = arith.maximumf %sub3A_394, %max3A_396 : vector<16xf32>
      %ge3A_398 = arith.constant 7 : i32
      %ge3A_399 = vector.broadcast %ge3A_398 : i32 to vector<16xi32>
      %ge3A_400 = arith.cmpi sge, %iota3A, %ge3A_399 : vector<16xi32>
      %and3A_401 = arith.andi %ge3A_400, %lt3A_216 : vector<16xi1>
      %jit3A_402 = arith.constant 0.000000e+00 : f32
      %broadcast_in_dim3A_403 = vector.broadcast %jit3A_402 : f32 to vector<16xf32>
      %select_n3A_404 = arith.select %and3A_401, %max3A_397, %broadcast_in_dim3A_403 : vector<16xi1>, vector<16xf32>
      %add3A_405 = arith.addf %add3A_341, %select_n3A_404 : vector<16xf32>
      %sub3A_406 = arith.subf %gather3A, %gather3A_252 : vector<16xf32>
      %abs3A_407 = math.absf %sub3A_406 : vector<16xf32>
      %sub3A_408 = arith.constant 1.000000e+00 : f32
      %sub3A_409 = vector.broadcast %sub3A_408 : f32 to vector<16xf32>
      %sub3A_410 = arith.subf %sub3A_409, %abs3A_407 : vector<16xf32>
      %max3A_411 = arith.constant 0.000000e+00 : f32
      %max3A_412 = vector.broadcast %max3A_411 : f32 to vector<16xf32>
      %max3A_413 = arith.maximumf %sub3A_410, %max3A_412 : vector<16xf32>
      %ge3A_414 = arith.constant 8 : i32
      %ge3A_415 = vector.broadcast %ge3A_414 : i32 to vector<16xi32>
      %ge3A_416 = arith.cmpi sge, %iota3A, %ge3A_415 : vector<16xi32>
      %and3A_417 = arith.andi %ge3A_416, %lt3A_216 : vector<16xi1>
      %jit3A_418 = arith.constant 0.000000e+00 : f32
      %broadcast_in_dim3A_419 = vector.broadcast %jit3A_418 : f32 to vector<16xf32>
      %select_n3A_420 = arith.select %and3A_417, %max3A_413, %broadcast_in_dim3A_419 : vector<16xi1>, vector<16xf32>
      %add3A_421 = arith.addf %add3A_357, %select_n3A_420 : vector<16xf32>
      %sub3A_422 = arith.subf %gather3A, %gather3A_256 : vector<16xf32>
      %abs3A_423 = math.absf %sub3A_422 : vector<16xf32>
      %sub3A_424 = arith.constant 1.000000e+00 : f32
      %sub3A_425 = vector.broadcast %sub3A_424 : f32 to vector<16xf32>
      %sub3A_426 = arith.subf %sub3A_425, %abs3A_423 : vector<16xf32>
      %max3A_427 = arith.constant 0.000000e+00 : f32
      %max3A_428 = vector.broadcast %max3A_427 : f32 to vector<16xf32>
      %max3A_429 = arith.maximumf %sub3A_426, %max3A_428 : vector<16xf32>
      %ge3A_430 = arith.constant 9 : i32
      %ge3A_431 = vector.broadcast %ge3A_430 : i32 to vector<16xi32>
      %ge3A_432 = arith.cmpi sge, %iota3A, %ge3A_431 : vector<16xi32>
      %and3A_433 = arith.andi %ge3A_432, %lt3A_216 : vector<16xi1>
      %jit3A_434 = arith.constant 0.000000e+00 : f32
      %broadcast_in_dim3A_435 = vector.broadcast %jit3A_434 : f32 to vector<16xf32>
      %select_n3A_436 = arith.select %and3A_433, %max3A_429, %broadcast_in_dim3A_435 : vector<16xi1>, vector<16xf32>
      %add3A_437 = arith.addf %add3A_373, %select_n3A_436 : vector<16xf32>
      %sub3A_438 = arith.subf %gather3A, %gather3A_260 : vector<16xf32>
      %abs3A_439 = math.absf %sub3A_438 : vector<16xf32>
      %sub3A_440 = arith.constant 1.000000e+00 : f32
      %sub3A_441 = vector.broadcast %sub3A_440 : f32 to vector<16xf32>
      %sub3A_442 = arith.subf %sub3A_441, %abs3A_439 : vector<16xf32>
      %max3A_443 = arith.constant 0.000000e+00 : f32
      %max3A_444 = vector.broadcast %max3A_443 : f32 to vector<16xf32>
      %max3A_445 = arith.maximumf %sub3A_442, %max3A_444 : vector<16xf32>
      %ge3A_446 = arith.constant 10 : i32
      %ge3A_447 = vector.broadcast %ge3A_446 : i32 to vector<16xi32>
      %ge3A_448 = arith.cmpi sge, %iota3A, %ge3A_447 : vector<16xi32>
      %and3A_449 = arith.andi %ge3A_448, %lt3A_216 : vector<16xi1>
      %jit3A_450 = arith.constant 0.000000e+00 : f32
      %broadcast_in_dim3A_451 = vector.broadcast %jit3A_450 : f32 to vector<16xf32>
      %select_n3A_452 = arith.select %and3A_449, %max3A_445, %broadcast_in_dim3A_451 : vector<16xi1>, vector<16xf32>
      %add3A_453 = arith.addf %add3A_389, %select_n3A_452 : vector<16xf32>
      %sub3A_454 = arith.subf %gather3A, %gather3A_264 : vector<16xf32>
      %abs3A_455 = math.absf %sub3A_454 : vector<16xf32>
      %sub3A_456 = arith.constant 1.000000e+00 : f32
      %sub3A_457 = vector.broadcast %sub3A_456 : f32 to vector<16xf32>
      %sub3A_458 = arith.subf %sub3A_457, %abs3A_455 : vector<16xf32>
      %max3A_459 = arith.constant 0.000000e+00 : f32
      %max3A_460 = vector.broadcast %max3A_459 : f32 to vector<16xf32>
      %max3A_461 = arith.maximumf %sub3A_458, %max3A_460 : vector<16xf32>
      %ge3A_462 = arith.constant 11 : i32
      %ge3A_463 = vector.broadcast %ge3A_462 : i32 to vector<16xi32>
      %ge3A_464 = arith.cmpi sge, %iota3A, %ge3A_463 : vector<16xi32>
      %and3A_465 = arith.andi %ge3A_464, %lt3A_216 : vector<16xi1>
      %jit3A_466 = arith.constant 0.000000e+00 : f32
      %broadcast_in_dim3A_467 = vector.broadcast %jit3A_466 : f32 to vector<16xf32>
      %select_n3A_468 = arith.select %and3A_465, %max3A_461, %broadcast_in_dim3A_467 : vector<16xi1>, vector<16xf32>
      %add3A_469 = arith.addf %add3A_405, %select_n3A_468 : vector<16xf32>
      %sub3A_470 = arith.subf %gather3A, %gather3A_268 : vector<16xf32>
      %abs3A_471 = math.absf %sub3A_470 : vector<16xf32>
      %sub3A_472 = arith.constant 1.000000e+00 : f32
      %sub3A_473 = vector.broadcast %sub3A_472 : f32 to vector<16xf32>
      %sub3A_474 = arith.subf %sub3A_473, %abs3A_471 : vector<16xf32>
      %max3A_475 = arith.constant 0.000000e+00 : f32
      %max3A_476 = vector.broadcast %max3A_475 : f32 to vector<16xf32>
      %max3A_477 = arith.maximumf %sub3A_474, %max3A_476 : vector<16xf32>
      %ge3A_478 = arith.constant 12 : i32
      %ge3A_479 = vector.broadcast %ge3A_478 : i32 to vector<16xi32>
      %ge3A_480 = arith.cmpi sge, %iota3A, %ge3A_479 : vector<16xi32>
      %and3A_481 = arith.andi %ge3A_480, %lt3A_216 : vector<16xi1>
      %jit3A_482 = arith.constant 0.000000e+00 : f32
      %broadcast_in_dim3A_483 = vector.broadcast %jit3A_482 : f32 to vector<16xf32>
      %select_n3A_484 = arith.select %and3A_481, %max3A_477, %broadcast_in_dim3A_483 : vector<16xi1>, vector<16xf32>
      %add3A_485 = arith.addf %add3A_421, %select_n3A_484 : vector<16xf32>
      %sub3A_486 = arith.subf %gather3A, %gather3A_272 : vector<16xf32>
      %abs3A_487 = math.absf %sub3A_486 : vector<16xf32>
      %sub3A_488 = arith.constant 1.000000e+00 : f32
      %sub3A_489 = vector.broadcast %sub3A_488 : f32 to vector<16xf32>
      %sub3A_490 = arith.subf %sub3A_489, %abs3A_487 : vector<16xf32>
      %max3A_491 = arith.constant 0.000000e+00 : f32
      %max3A_492 = vector.broadcast %max3A_491 : f32 to vector<16xf32>
      %max3A_493 = arith.maximumf %sub3A_490, %max3A_492 : vector<16xf32>
      %ge3A_494 = arith.constant 13 : i32
      %ge3A_495 = vector.broadcast %ge3A_494 : i32 to vector<16xi32>
      %ge3A_496 = arith.cmpi sge, %iota3A, %ge3A_495 : vector<16xi32>
      %and3A_497 = arith.andi %ge3A_496, %lt3A_216 : vector<16xi1>
      %jit3A_498 = arith.constant 0.000000e+00 : f32
      %broadcast_in_dim3A_499 = vector.broadcast %jit3A_498 : f32 to vector<16xf32>
      %select_n3A_500 = arith.select %and3A_497, %max3A_493, %broadcast_in_dim3A_499 : vector<16xi1>, vector<16xf32>
      %add3A_501 = arith.addf %add3A_437, %select_n3A_500 : vector<16xf32>
      %sub3A_502 = arith.subf %gather3A, %gather3A_276 : vector<16xf32>
      %abs3A_503 = math.absf %sub3A_502 : vector<16xf32>
      %sub3A_504 = arith.constant 1.000000e+00 : f32
      %sub3A_505 = vector.broadcast %sub3A_504 : f32 to vector<16xf32>
      %sub3A_506 = arith.subf %sub3A_505, %abs3A_503 : vector<16xf32>
      %max3A_507 = arith.constant 0.000000e+00 : f32
      %max3A_508 = vector.broadcast %max3A_507 : f32 to vector<16xf32>
      %max3A_509 = arith.maximumf %sub3A_506, %max3A_508 : vector<16xf32>
      %ge3A_510 = arith.constant 14 : i32
      %ge3A_511 = vector.broadcast %ge3A_510 : i32 to vector<16xi32>
      %ge3A_512 = arith.cmpi sge, %iota3A, %ge3A_511 : vector<16xi32>
      %and3A_513 = arith.andi %ge3A_512, %lt3A_216 : vector<16xi1>
      %jit3A_514 = arith.constant 0.000000e+00 : f32
      %broadcast_in_dim3A_515 = vector.broadcast %jit3A_514 : f32 to vector<16xf32>
      %select_n3A_516 = arith.select %and3A_513, %max3A_509, %broadcast_in_dim3A_515 : vector<16xi1>, vector<16xf32>
      %add3A_517 = arith.addf %add3A_453, %select_n3A_516 : vector<16xf32>
      %sub3A_518 = arith.subf %gather3A, %gather3A_280 : vector<16xf32>
      %abs3A_519 = math.absf %sub3A_518 : vector<16xf32>
      %sub3A_520 = arith.constant 1.000000e+00 : f32
      %sub3A_521 = vector.broadcast %sub3A_520 : f32 to vector<16xf32>
      %sub3A_522 = arith.subf %sub3A_521, %abs3A_519 : vector<16xf32>
      %max3A_523 = arith.constant 0.000000e+00 : f32
      %max3A_524 = vector.broadcast %max3A_523 : f32 to vector<16xf32>
      %max3A_525 = arith.maximumf %sub3A_522, %max3A_524 : vector<16xf32>
      %ge3A_526 = arith.constant 15 : i32
      %ge3A_527 = vector.broadcast %ge3A_526 : i32 to vector<16xi32>
      %ge3A_528 = arith.cmpi sge, %iota3A, %ge3A_527 : vector<16xi32>
      %and3A_529 = arith.andi %ge3A_528, %lt3A_216 : vector<16xi1>
      %jit3A_530 = arith.constant 0.000000e+00 : f32
      %broadcast_in_dim3A_531 = vector.broadcast %jit3A_530 : f32 to vector<16xf32>
      %select_n3A_532 = arith.select %and3A_529, %max3A_525, %broadcast_in_dim3A_531 : vector<16xi1>, vector<16xf32>
      %add3A_533 = arith.addf %add3A_469, %select_n3A_532 : vector<16xf32>
      %add3A_534 = arith.constant 1 : i32
      %add3A_535 = arith.addi %add3A_210, %add3A_534 : i32
      %while3A_536 = arith.subi %shift_right_arithmetic3A_130, %add3A_535 : i32
      %while3A_537 = arith.addi %add3A_535, %while3A_536 : i32
      %while3A_538 = arith.constant 1 : i32
      %while3A_539 = arith.divsi %while3A_536, %while3A_538 : i32
      %while3A_540 = arith.muli %while3A_539, %while3A_538 : i32
      %while3A_541 = arith.addi %add3A_535, %while3A_540 : i32
      %while3A_542 = arith.constant 1 : i32
      %while3A_543:4 = scf.for %while3A_546 = %add3A_535 to %while3A_541 step %while3A_542 iter_args(%while3A_547 = %add3A_485, %while3A_548 = %add3A_501, %while3A_549 = %add3A_517, %while3A_550 = %add3A_533) -> (vector<16xf32>, vector<16xf32>, vector<16xf32>, vector<16xf32>)  : i32 {
        %mul3A_551 = arith.constant 16 : i32
        %mul3A_552 = arith.muli %while3A_546, %mul3A_551 : i32
        %broadcast_in_dim3A_553 = vector.broadcast %mul3A_552 : i32 to vector<16xi32>
        %add3A_554 = arith.addi %broadcast_in_dim3A_553, %iota3A : vector<16xi32>
        %gather3A_555 = tpu.vector_load_idx %arg13[%add3A_554] : memref<528xf32, #tpu.memory_space<vmem>>[vector<16xi32>], vector<16xf32>,
        %sub3A_556 = arith.subf %gather3A_555, %gather3A_220 : vector<16xf32>
        %abs3A_557 = math.absf %sub3A_556 : vector<16xf32>
        %sub3A_558 = arith.constant 1.000000e+00 : f32
        %sub3A_559 = vector.broadcast %sub3A_558 : f32 to vector<16xf32>
        %sub3A_560 = arith.subf %sub3A_559, %abs3A_557 : vector<16xf32>
        %max3A_561 = arith.constant 0.000000e+00 : f32
        %max3A_562 = vector.broadcast %max3A_561 : f32 to vector<16xf32>
        %max3A_563 = arith.maximumf %sub3A_560, %max3A_562 : vector<16xf32>
        %add3A_564 = arith.addf %while3A_547, %max3A_563 : vector<16xf32>
        %sub3A_565 = arith.subf %gather3A_555, %gather3A_224 : vector<16xf32>
        %abs3A_566 = math.absf %sub3A_565 : vector<16xf32>
        %sub3A_567 = arith.constant 1.000000e+00 : f32
        %sub3A_568 = vector.broadcast %sub3A_567 : f32 to vector<16xf32>
        %sub3A_569 = arith.subf %sub3A_568, %abs3A_566 : vector<16xf32>
        %max3A_570 = arith.constant 0.000000e+00 : f32
        %max3A_571 = vector.broadcast %max3A_570 : f32 to vector<16xf32>
        %max3A_572 = arith.maximumf %sub3A_569, %max3A_571 : vector<16xf32>
        %add3A_573 = arith.addf %while3A_548, %max3A_572 : vector<16xf32>
        %sub3A_574 = arith.subf %gather3A_555, %gather3A_228 : vector<16xf32>
        %abs3A_575 = math.absf %sub3A_574 : vector<16xf32>
        %sub3A_576 = arith.constant 1.000000e+00 : f32
        %sub3A_577 = vector.broadcast %sub3A_576 : f32 to vector<16xf32>
        %sub3A_578 = arith.subf %sub3A_577, %abs3A_575 : vector<16xf32>
        %max3A_579 = arith.constant 0.000000e+00 : f32
        %max3A_580 = vector.broadcast %max3A_579 : f32 to vector<16xf32>
        %max3A_581 = arith.maximumf %sub3A_578, %max3A_580 : vector<16xf32>
        %add3A_582 = arith.addf %while3A_549, %max3A_581 : vector<16xf32>
        %sub3A_583 = arith.subf %gather3A_555, %gather3A_232 : vector<16xf32>
        %abs3A_584 = math.absf %sub3A_583 : vector<16xf32>
        %sub3A_585 = arith.constant 1.000000e+00 : f32
        %sub3A_586 = vector.broadcast %sub3A_585 : f32 to vector<16xf32>
        %sub3A_587 = arith.subf %sub3A_586, %abs3A_584 : vector<16xf32>
        %max3A_588 = arith.constant 0.000000e+00 : f32
        %max3A_589 = vector.broadcast %max3A_588 : f32 to vector<16xf32>
        %max3A_590 = arith.maximumf %sub3A_587, %max3A_589 : vector<16xf32>
        %add3A_591 = arith.addf %while3A_550, %max3A_590 : vector<16xf32>
        %sub3A_592 = arith.subf %gather3A_555, %gather3A_236 : vector<16xf32>
        %abs3A_593 = math.absf %sub3A_592 : vector<16xf32>
        %sub3A_594 = arith.constant 1.000000e+00 : f32
        %sub3A_595 = vector.broadcast %sub3A_594 : f32 to vector<16xf32>
        %sub3A_596 = arith.subf %sub3A_595, %abs3A_593 : vector<16xf32>
        %max3A_597 = arith.constant 0.000000e+00 : f32
        %max3A_598 = vector.broadcast %max3A_597 : f32 to vector<16xf32>
        %max3A_599 = arith.maximumf %sub3A_596, %max3A_598 : vector<16xf32>
        %add3A_600 = arith.addf %add3A_564, %max3A_599 : vector<16xf32>
        %sub3A_601 = arith.subf %gather3A_555, %gather3A_240 : vector<16xf32>
        %abs3A_602 = math.absf %sub3A_601 : vector<16xf32>
        %sub3A_603 = arith.constant 1.000000e+00 : f32
        %sub3A_604 = vector.broadcast %sub3A_603 : f32 to vector<16xf32>
        %sub3A_605 = arith.subf %sub3A_604, %abs3A_602 : vector<16xf32>
        %max3A_606 = arith.constant 0.000000e+00 : f32
        %max3A_607 = vector.broadcast %max3A_606 : f32 to vector<16xf32>
        %max3A_608 = arith.maximumf %sub3A_605, %max3A_607 : vector<16xf32>
        %add3A_609 = arith.addf %add3A_573, %max3A_608 : vector<16xf32>
        %sub3A_610 = arith.subf %gather3A_555, %gather3A_244 : vector<16xf32>
        %abs3A_611 = math.absf %sub3A_610 : vector<16xf32>
        %sub3A_612 = arith.constant 1.000000e+00 : f32
        %sub3A_613 = vector.broadcast %sub3A_612 : f32 to vector<16xf32>
        %sub3A_614 = arith.subf %sub3A_613, %abs3A_611 : vector<16xf32>
        %max3A_615 = arith.constant 0.000000e+00 : f32
        %max3A_616 = vector.broadcast %max3A_615 : f32 to vector<16xf32>
        %max3A_617 = arith.maximumf %sub3A_614, %max3A_616 : vector<16xf32>
        %add3A_618 = arith.addf %add3A_582, %max3A_617 : vector<16xf32>
        %sub3A_619 = arith.subf %gather3A_555, %gather3A_248 : vector<16xf32>
        %abs3A_620 = math.absf %sub3A_619 : vector<16xf32>
        %sub3A_621 = arith.constant 1.000000e+00 : f32
        %sub3A_622 = vector.broadcast %sub3A_621 : f32 to vector<16xf32>
        %sub3A_623 = arith.subf %sub3A_622, %abs3A_620 : vector<16xf32>
        %max3A_624 = arith.constant 0.000000e+00 : f32
        %max3A_625 = vector.broadcast %max3A_624 : f32 to vector<16xf32>
        %max3A_626 = arith.maximumf %sub3A_623, %max3A_625 : vector<16xf32>
        %add3A_627 = arith.addf %add3A_591, %max3A_626 : vector<16xf32>
        %sub3A_628 = arith.subf %gather3A_555, %gather3A_252 : vector<16xf32>
        %abs3A_629 = math.absf %sub3A_628 : vector<16xf32>
        %sub3A_630 = arith.constant 1.000000e+00 : f32
        %sub3A_631 = vector.broadcast %sub3A_630 : f32 to vector<16xf32>
        %sub3A_632 = arith.subf %sub3A_631, %abs3A_629 : vector<16xf32>
        %max3A_633 = arith.constant 0.000000e+00 : f32
        %max3A_634 = vector.broadcast %max3A_633 : f32 to vector<16xf32>
        %max3A_635 = arith.maximumf %sub3A_632, %max3A_634 : vector<16xf32>
        %add3A_636 = arith.addf %add3A_600, %max3A_635 : vector<16xf32>
        %sub3A_637 = arith.subf %gather3A_555, %gather3A_256 : vector<16xf32>
        %abs3A_638 = math.absf %sub3A_637 : vector<16xf32>
        %sub3A_639 = arith.constant 1.000000e+00 : f32
        %sub3A_640 = vector.broadcast %sub3A_639 : f32 to vector<16xf32>
        %sub3A_641 = arith.subf %sub3A_640, %abs3A_638 : vector<16xf32>
        %max3A_642 = arith.constant 0.000000e+00 : f32
        %max3A_643 = vector.broadcast %max3A_642 : f32 to vector<16xf32>
        %max3A_644 = arith.maximumf %sub3A_641, %max3A_643 : vector<16xf32>
        %add3A_645 = arith.addf %add3A_609, %max3A_644 : vector<16xf32>
        %sub3A_646 = arith.subf %gather3A_555, %gather3A_260 : vector<16xf32>
        %abs3A_647 = math.absf %sub3A_646 : vector<16xf32>
        %sub3A_648 = arith.constant 1.000000e+00 : f32
        %sub3A_649 = vector.broadcast %sub3A_648 : f32 to vector<16xf32>
        %sub3A_650 = arith.subf %sub3A_649, %abs3A_647 : vector<16xf32>
        %max3A_651 = arith.constant 0.000000e+00 : f32
        %max3A_652 = vector.broadcast %max3A_651 : f32 to vector<16xf32>
        %max3A_653 = arith.maximumf %sub3A_650, %max3A_652 : vector<16xf32>
        %add3A_654 = arith.addf %add3A_618, %max3A_653 : vector<16xf32>
        %sub3A_655 = arith.subf %gather3A_555, %gather3A_264 : vector<16xf32>
        %abs3A_656 = math.absf %sub3A_655 : vector<16xf32>
        %sub3A_657 = arith.constant 1.000000e+00 : f32
        %sub3A_658 = vector.broadcast %sub3A_657 : f32 to vector<16xf32>
        %sub3A_659 = arith.subf %sub3A_658, %abs3A_656 : vector<16xf32>
        %max3A_660 = arith.constant 0.000000e+00 : f32
        %max3A_661 = vector.broadcast %max3A_660 : f32 to vector<16xf32>
        %max3A_662 = arith.maximumf %sub3A_659, %max3A_661 : vector<16xf32>
        %add3A_663 = arith.addf %add3A_627, %max3A_662 : vector<16xf32>
        %sub3A_664 = arith.subf %gather3A_555, %gather3A_268 : vector<16xf32>
        %abs3A_665 = math.absf %sub3A_664 : vector<16xf32>
        %sub3A_666 = arith.constant 1.000000e+00 : f32
        %sub3A_667 = vector.broadcast %sub3A_666 : f32 to vector<16xf32>
        %sub3A_668 = arith.subf %sub3A_667, %abs3A_665 : vector<16xf32>
        %max3A_669 = arith.constant 0.000000e+00 : f32
        %max3A_670 = vector.broadcast %max3A_669 : f32 to vector<16xf32>
        %max3A_671 = arith.maximumf %sub3A_668, %max3A_670 : vector<16xf32>
        %add3A_672 = arith.addf %add3A_636, %max3A_671 : vector<16xf32>
        %sub3A_673 = arith.subf %gather3A_555, %gather3A_272 : vector<16xf32>
        %abs3A_674 = math.absf %sub3A_673 : vector<16xf32>
        %sub3A_675 = arith.constant 1.000000e+00 : f32
        %sub3A_676 = vector.broadcast %sub3A_675 : f32 to vector<16xf32>
        %sub3A_677 = arith.subf %sub3A_676, %abs3A_674 : vector<16xf32>
        %max3A_678 = arith.constant 0.000000e+00 : f32
        %max3A_679 = vector.broadcast %max3A_678 : f32 to vector<16xf32>
        %max3A_680 = arith.maximumf %sub3A_677, %max3A_679 : vector<16xf32>
        %add3A_681 = arith.addf %add3A_645, %max3A_680 : vector<16xf32>
        %sub3A_682 = arith.subf %gather3A_555, %gather3A_276 : vector<16xf32>
        %abs3A_683 = math.absf %sub3A_682 : vector<16xf32>
        %sub3A_684 = arith.constant 1.000000e+00 : f32
        %sub3A_685 = vector.broadcast %sub3A_684 : f32 to vector<16xf32>
        %sub3A_686 = arith.subf %sub3A_685, %abs3A_683 : vector<16xf32>
        %max3A_687 = arith.constant 0.000000e+00 : f32
        %max3A_688 = vector.broadcast %max3A_687 : f32 to vector<16xf32>
        %max3A_689 = arith.maximumf %sub3A_686, %max3A_688 : vector<16xf32>
        %add3A_690 = arith.addf %add3A_654, %max3A_689 : vector<16xf32>
        %sub3A_691 = arith.subf %gather3A_555, %gather3A_280 : vector<16xf32>
        %abs3A_692 = math.absf %sub3A_691 : vector<16xf32>
        %sub3A_693 = arith.constant 1.000000e+00 : f32
        %sub3A_694 = vector.broadcast %sub3A_693 : f32 to vector<16xf32>
        %sub3A_695 = arith.subf %sub3A_694, %abs3A_692 : vector<16xf32>
        %max3A_696 = arith.constant 0.000000e+00 : f32
        %max3A_697 = vector.broadcast %max3A_696 : f32 to vector<16xf32>
        %max3A_698 = arith.maximumf %sub3A_695, %max3A_697 : vector<16xf32>
        %add3A_699 = arith.addf %add3A_663, %max3A_698 : vector<16xf32>
        scf.yield %add3A_672, %add3A_681, %add3A_690, %add3A_699 : vector<16xf32>, vector<16xf32>, vector<16xf32>, vector<16xf32>
      }
      %while3A_544 = arith.constant 1 : i32
      %while3A_545:4 = scf.for %while3A_546 = %while3A_541 to %while3A_537 step %while3A_544 iter_args(%while3A_547 = %while3A_543#0, %while3A_548 = %while3A_543#1, %while3A_549 = %while3A_543#2, %while3A_550 = %while3A_543#3) -> (vector<16xf32>, vector<16xf32>, vector<16xf32>, vector<16xf32>)  : i32 {
        %mul3A_551 = arith.constant 16 : i32
        %mul3A_552 = arith.muli %while3A_546, %mul3A_551 : i32
        %broadcast_in_dim3A_553 = vector.broadcast %mul3A_552 : i32 to vector<16xi32>
        %add3A_554 = arith.addi %broadcast_in_dim3A_553, %iota3A : vector<16xi32>
        %gather3A_555 = tpu.vector_load_idx %arg13[%add3A_554] : memref<528xf32, #tpu.memory_space<vmem>>[vector<16xi32>], vector<16xf32>,
        %sub3A_556 = arith.subf %gather3A_555, %gather3A_220 : vector<16xf32>
        %abs3A_557 = math.absf %sub3A_556 : vector<16xf32>
        %sub3A_558 = arith.constant 1.000000e+00 : f32
        %sub3A_559 = vector.broadcast %sub3A_558 : f32 to vector<16xf32>
        %sub3A_560 = arith.subf %sub3A_559, %abs3A_557 : vector<16xf32>
        %max3A_561 = arith.constant 0.000000e+00 : f32
        %max3A_562 = vector.broadcast %max3A_561 : f32 to vector<16xf32>
        %max3A_563 = arith.maximumf %sub3A_560, %max3A_562 : vector<16xf32>
        %add3A_564 = arith.addf %while3A_547, %max3A_563 : vector<16xf32>
        %sub3A_565 = arith.subf %gather3A_555, %gather3A_224 : vector<16xf32>
        %abs3A_566 = math.absf %sub3A_565 : vector<16xf32>
        %sub3A_567 = arith.constant 1.000000e+00 : f32
        %sub3A_568 = vector.broadcast %sub3A_567 : f32 to vector<16xf32>
        %sub3A_569 = arith.subf %sub3A_568, %abs3A_566 : vector<16xf32>
        %max3A_570 = arith.constant 0.000000e+00 : f32
        %max3A_571 = vector.broadcast %max3A_570 : f32 to vector<16xf32>
        %max3A_572 = arith.maximumf %sub3A_569, %max3A_571 : vector<16xf32>
        %add3A_573 = arith.addf %while3A_548, %max3A_572 : vector<16xf32>
        %sub3A_574 = arith.subf %gather3A_555, %gather3A_228 : vector<16xf32>
        %abs3A_575 = math.absf %sub3A_574 : vector<16xf32>
        %sub3A_576 = arith.constant 1.000000e+00 : f32
        %sub3A_577 = vector.broadcast %sub3A_576 : f32 to vector<16xf32>
        %sub3A_578 = arith.subf %sub3A_577, %abs3A_575 : vector<16xf32>
        %max3A_579 = arith.constant 0.000000e+00 : f32
        %max3A_580 = vector.broadcast %max3A_579 : f32 to vector<16xf32>
        %max3A_581 = arith.maximumf %sub3A_578, %max3A_580 : vector<16xf32>
        %add3A_582 = arith.addf %while3A_549, %max3A_581 : vector<16xf32>
        %sub3A_583 = arith.subf %gather3A_555, %gather3A_232 : vector<16xf32>
        %abs3A_584 = math.absf %sub3A_583 : vector<16xf32>
        %sub3A_585 = arith.constant 1.000000e+00 : f32
        %sub3A_586 = vector.broadcast %sub3A_585 : f32 to vector<16xf32>
        %sub3A_587 = arith.subf %sub3A_586, %abs3A_584 : vector<16xf32>
        %max3A_588 = arith.constant 0.000000e+00 : f32
        %max3A_589 = vector.broadcast %max3A_588 : f32 to vector<16xf32>
        %max3A_590 = arith.maximumf %sub3A_587, %max3A_589 : vector<16xf32>
        %add3A_591 = arith.addf %while3A_550, %max3A_590 : vector<16xf32>
        %sub3A_592 = arith.subf %gather3A_555, %gather3A_236 : vector<16xf32>
        %abs3A_593 = math.absf %sub3A_592 : vector<16xf32>
        %sub3A_594 = arith.constant 1.000000e+00 : f32
        %sub3A_595 = vector.broadcast %sub3A_594 : f32 to vector<16xf32>
        %sub3A_596 = arith.subf %sub3A_595, %abs3A_593 : vector<16xf32>
        %max3A_597 = arith.constant 0.000000e+00 : f32
        %max3A_598 = vector.broadcast %max3A_597 : f32 to vector<16xf32>
        %max3A_599 = arith.maximumf %sub3A_596, %max3A_598 : vector<16xf32>
        %add3A_600 = arith.addf %add3A_564, %max3A_599 : vector<16xf32>
        %sub3A_601 = arith.subf %gather3A_555, %gather3A_240 : vector<16xf32>
        %abs3A_602 = math.absf %sub3A_601 : vector<16xf32>
        %sub3A_603 = arith.constant 1.000000e+00 : f32
        %sub3A_604 = vector.broadcast %sub3A_603 : f32 to vector<16xf32>
        %sub3A_605 = arith.subf %sub3A_604, %abs3A_602 : vector<16xf32>
        %max3A_606 = arith.constant 0.000000e+00 : f32
        %max3A_607 = vector.broadcast %max3A_606 : f32 to vector<16xf32>
        %max3A_608 = arith.maximumf %sub3A_605, %max3A_607 : vector<16xf32>
        %add3A_609 = arith.addf %add3A_573, %max3A_608 : vector<16xf32>
        %sub3A_610 = arith.subf %gather3A_555, %gather3A_244 : vector<16xf32>
        %abs3A_611 = math.absf %sub3A_610 : vector<16xf32>
        %sub3A_612 = arith.constant 1.000000e+00 : f32
        %sub3A_613 = vector.broadcast %sub3A_612 : f32 to vector<16xf32>
        %sub3A_614 = arith.subf %sub3A_613, %abs3A_611 : vector<16xf32>
        %max3A_615 = arith.constant 0.000000e+00 : f32
        %max3A_616 = vector.broadcast %max3A_615 : f32 to vector<16xf32>
        %max3A_617 = arith.maximumf %sub3A_614, %max3A_616 : vector<16xf32>
        %add3A_618 = arith.addf %add3A_582, %max3A_617 : vector<16xf32>
        %sub3A_619 = arith.subf %gather3A_555, %gather3A_248 : vector<16xf32>
        %abs3A_620 = math.absf %sub3A_619 : vector<16xf32>
        %sub3A_621 = arith.constant 1.000000e+00 : f32
        %sub3A_622 = vector.broadcast %sub3A_621 : f32 to vector<16xf32>
        %sub3A_623 = arith.subf %sub3A_622, %abs3A_620 : vector<16xf32>
        %max3A_624 = arith.constant 0.000000e+00 : f32
        %max3A_625 = vector.broadcast %max3A_624 : f32 to vector<16xf32>
        %max3A_626 = arith.maximumf %sub3A_623, %max3A_625 : vector<16xf32>
        %add3A_627 = arith.addf %add3A_591, %max3A_626 : vector<16xf32>
        %sub3A_628 = arith.subf %gather3A_555, %gather3A_252 : vector<16xf32>
        %abs3A_629 = math.absf %sub3A_628 : vector<16xf32>
        %sub3A_630 = arith.constant 1.000000e+00 : f32
        %sub3A_631 = vector.broadcast %sub3A_630 : f32 to vector<16xf32>
        %sub3A_632 = arith.subf %sub3A_631, %abs3A_629 : vector<16xf32>
        %max3A_633 = arith.constant 0.000000e+00 : f32
        %max3A_634 = vector.broadcast %max3A_633 : f32 to vector<16xf32>
        %max3A_635 = arith.maximumf %sub3A_632, %max3A_634 : vector<16xf32>
        %add3A_636 = arith.addf %add3A_600, %max3A_635 : vector<16xf32>
        %sub3A_637 = arith.subf %gather3A_555, %gather3A_256 : vector<16xf32>
        %abs3A_638 = math.absf %sub3A_637 : vector<16xf32>
        %sub3A_639 = arith.constant 1.000000e+00 : f32
        %sub3A_640 = vector.broadcast %sub3A_639 : f32 to vector<16xf32>
        %sub3A_641 = arith.subf %sub3A_640, %abs3A_638 : vector<16xf32>
        %max3A_642 = arith.constant 0.000000e+00 : f32
        %max3A_643 = vector.broadcast %max3A_642 : f32 to vector<16xf32>
        %max3A_644 = arith.maximumf %sub3A_641, %max3A_643 : vector<16xf32>
        %add3A_645 = arith.addf %add3A_609, %max3A_644 : vector<16xf32>
        %sub3A_646 = arith.subf %gather3A_555, %gather3A_260 : vector<16xf32>
        %abs3A_647 = math.absf %sub3A_646 : vector<16xf32>
        %sub3A_648 = arith.constant 1.000000e+00 : f32
        %sub3A_649 = vector.broadcast %sub3A_648 : f32 to vector<16xf32>
        %sub3A_650 = arith.subf %sub3A_649, %abs3A_647 : vector<16xf32>
        %max3A_651 = arith.constant 0.000000e+00 : f32
        %max3A_652 = vector.broadcast %max3A_651 : f32 to vector<16xf32>
        %max3A_653 = arith.maximumf %sub3A_650, %max3A_652 : vector<16xf32>
        %add3A_654 = arith.addf %add3A_618, %max3A_653 : vector<16xf32>
        %sub3A_655 = arith.subf %gather3A_555, %gather3A_264 : vector<16xf32>
        %abs3A_656 = math.absf %sub3A_655 : vector<16xf32>
        %sub3A_657 = arith.constant 1.000000e+00 : f32
        %sub3A_658 = vector.broadcast %sub3A_657 : f32 to vector<16xf32>
        %sub3A_659 = arith.subf %sub3A_658, %abs3A_656 : vector<16xf32>
        %max3A_660 = arith.constant 0.000000e+00 : f32
        %max3A_661 = vector.broadcast %max3A_660 : f32 to vector<16xf32>
        %max3A_662 = arith.maximumf %sub3A_659, %max3A_661 : vector<16xf32>
        %add3A_663 = arith.addf %add3A_627, %max3A_662 : vector<16xf32>
        %sub3A_664 = arith.subf %gather3A_555, %gather3A_268 : vector<16xf32>
        %abs3A_665 = math.absf %sub3A_664 : vector<16xf32>
        %sub3A_666 = arith.constant 1.000000e+00 : f32
        %sub3A_667 = vector.broadcast %sub3A_666 : f32 to vector<16xf32>
        %sub3A_668 = arith.subf %sub3A_667, %abs3A_665 : vector<16xf32>
        %max3A_669 = arith.constant 0.000000e+00 : f32
        %max3A_670 = vector.broadcast %max3A_669 : f32 to vector<16xf32>
        %max3A_671 = arith.maximumf %sub3A_668, %max3A_670 : vector<16xf32>
        %add3A_672 = arith.addf %add3A_636, %max3A_671 : vector<16xf32>
        %sub3A_673 = arith.subf %gather3A_555, %gather3A_272 : vector<16xf32>
        %abs3A_674 = math.absf %sub3A_673 : vector<16xf32>
        %sub3A_675 = arith.constant 1.000000e+00 : f32
        %sub3A_676 = vector.broadcast %sub3A_675 : f32 to vector<16xf32>
        %sub3A_677 = arith.subf %sub3A_676, %abs3A_674 : vector<16xf32>
        %max3A_678 = arith.constant 0.000000e+00 : f32
        %max3A_679 = vector.broadcast %max3A_678 : f32 to vector<16xf32>
        %max3A_680 = arith.maximumf %sub3A_677, %max3A_679 : vector<16xf32>
        %add3A_681 = arith.addf %add3A_645, %max3A_680 : vector<16xf32>
        %sub3A_682 = arith.subf %gather3A_555, %gather3A_276 : vector<16xf32>
        %abs3A_683 = math.absf %sub3A_682 : vector<16xf32>
        %sub3A_684 = arith.constant 1.000000e+00 : f32
        %sub3A_685 = vector.broadcast %sub3A_684 : f32 to vector<16xf32>
        %sub3A_686 = arith.subf %sub3A_685, %abs3A_683 : vector<16xf32>
        %max3A_687 = arith.constant 0.000000e+00 : f32
        %max3A_688 = vector.broadcast %max3A_687 : f32 to vector<16xf32>
        %max3A_689 = arith.maximumf %sub3A_686, %max3A_688 : vector<16xf32>
        %add3A_690 = arith.addf %add3A_654, %max3A_689 : vector<16xf32>
        %sub3A_691 = arith.subf %gather3A_555, %gather3A_280 : vector<16xf32>
        %abs3A_692 = math.absf %sub3A_691 : vector<16xf32>
        %sub3A_693 = arith.constant 1.000000e+00 : f32
        %sub3A_694 = vector.broadcast %sub3A_693 : f32 to vector<16xf32>
        %sub3A_695 = arith.subf %sub3A_694, %abs3A_692 : vector<16xf32>
        %max3A_696 = arith.constant 0.000000e+00 : f32
        %max3A_697 = vector.broadcast %max3A_696 : f32 to vector<16xf32>
        %max3A_698 = arith.maximumf %sub3A_695, %max3A_697 : vector<16xf32>
        %add3A_699 = arith.addf %add3A_663, %max3A_698 : vector<16xf32>
        scf.yield %add3A_672, %add3A_681, %add3A_690, %add3A_699 : vector<16xf32>, vector<16xf32>, vector<16xf32>, vector<16xf32>
      }
      scf.yield %while3A_545#0, %while3A_545#1, %while3A_545#2, %while3A_545#3 : vector<16xf32>, vector<16xf32>, vector<16xf32>, vector<16xf32>
    }
    %while3A_146 = arith.constant 1 : i32
    %while3A_147:4 = scf.for %while3A_203 = %while3A_143 to %while3A_139 step %while3A_146 iter_args(%while3A_204 = %while3A_145#0, %while3A_205 = %while3A_145#1, %while3A_206 = %while3A_145#2, %while3A_207 = %while3A_145#3) -> (vector<16xf32>, vector<16xf32>, vector<16xf32>, vector<16xf32>)  : i32 {
      %mul3A_208 = arith.constant 2 : i32
      %mul3A_209 = arith.muli %mul3A_208, %while3A_203 : i32
      %add3A_210 = arith.addi %mul3A_209, %and3A_2 : i32
      %mul3A_211 = arith.constant 16 : i32
      %mul3A_212 = arith.muli %add3A_210, %mul3A_211 : i32
      %broadcast_in_dim3A_213 = vector.broadcast %mul3A_212 : i32 to vector<16xi32>
      %add3A_214 = arith.addi %broadcast_in_dim3A_213, %iota3A : vector<16xi32>
      %gather3A = tpu.vector_load_idx %arg13[%add3A_214] : memref<528xf32, #tpu.memory_space<vmem>>[vector<16xi32>], vector<16xf32>,
      %add3A_215 = arith.addi %broadcast_in_dim3A_213, %iota3A : vector<16xi32>
      %lt3A = vector.broadcast %scan3A_97 : i32 to vector<16xi32>
      %lt3A_216 = arith.cmpi slt, %add3A_215, %lt3A : vector<16xi32>
      %add3A_217 = arith.constant 0 : i32
      %add3A_218 = arith.addi %mul3A_212, %add3A_217 : i32
      %broadcast_in_dim3A_219 = vector.broadcast %add3A_218 : i32 to vector<16xi32>
      %gather3A_220 = tpu.vector_load_idx %arg13[%broadcast_in_dim3A_219] : memref<528xf32, #tpu.memory_space<vmem>>[vector<16xi32>], vector<16xf32>,
      %add3A_221 = arith.constant 1 : i32
      %add3A_222 = arith.addi %mul3A_212, %add3A_221 : i32
      %broadcast_in_dim3A_223 = vector.broadcast %add3A_222 : i32 to vector<16xi32>
      %gather3A_224 = tpu.vector_load_idx %arg13[%broadcast_in_dim3A_223] : memref<528xf32, #tpu.memory_space<vmem>>[vector<16xi32>], vector<16xf32>,
      %add3A_225 = arith.constant 2 : i32
      %add3A_226 = arith.addi %mul3A_212, %add3A_225 : i32
      %broadcast_in_dim3A_227 = vector.broadcast %add3A_226 : i32 to vector<16xi32>
      %gather3A_228 = tpu.vector_load_idx %arg13[%broadcast_in_dim3A_227] : memref<528xf32, #tpu.memory_space<vmem>>[vector<16xi32>], vector<16xf32>,
      %add3A_229 = arith.constant 3 : i32
      %add3A_230 = arith.addi %mul3A_212, %add3A_229 : i32
      %broadcast_in_dim3A_231 = vector.broadcast %add3A_230 : i32 to vector<16xi32>
      %gather3A_232 = tpu.vector_load_idx %arg13[%broadcast_in_dim3A_231] : memref<528xf32, #tpu.memory_space<vmem>>[vector<16xi32>], vector<16xf32>,
      %add3A_233 = arith.constant 4 : i32
      %add3A_234 = arith.addi %mul3A_212, %add3A_233 : i32
      %broadcast_in_dim3A_235 = vector.broadcast %add3A_234 : i32 to vector<16xi32>
      %gather3A_236 = tpu.vector_load_idx %arg13[%broadcast_in_dim3A_235] : memref<528xf32, #tpu.memory_space<vmem>>[vector<16xi32>], vector<16xf32>,
      %add3A_237 = arith.constant 5 : i32
      %add3A_238 = arith.addi %mul3A_212, %add3A_237 : i32
      %broadcast_in_dim3A_239 = vector.broadcast %add3A_238 : i32 to vector<16xi32>
      %gather3A_240 = tpu.vector_load_idx %arg13[%broadcast_in_dim3A_239] : memref<528xf32, #tpu.memory_space<vmem>>[vector<16xi32>], vector<16xf32>,
      %add3A_241 = arith.constant 6 : i32
      %add3A_242 = arith.addi %mul3A_212, %add3A_241 : i32
      %broadcast_in_dim3A_243 = vector.broadcast %add3A_242 : i32 to vector<16xi32>
      %gather3A_244 = tpu.vector_load_idx %arg13[%broadcast_in_dim3A_243] : memref<528xf32, #tpu.memory_space<vmem>>[vector<16xi32>], vector<16xf32>,
      %add3A_245 = arith.constant 7 : i32
      %add3A_246 = arith.addi %mul3A_212, %add3A_245 : i32
      %broadcast_in_dim3A_247 = vector.broadcast %add3A_246 : i32 to vector<16xi32>
      %gather3A_248 = tpu.vector_load_idx %arg13[%broadcast_in_dim3A_247] : memref<528xf32, #tpu.memory_space<vmem>>[vector<16xi32>], vector<16xf32>,
      %add3A_249 = arith.constant 8 : i32
      %add3A_250 = arith.addi %mul3A_212, %add3A_249 : i32
      %broadcast_in_dim3A_251 = vector.broadcast %add3A_250 : i32 to vector<16xi32>
      %gather3A_252 = tpu.vector_load_idx %arg13[%broadcast_in_dim3A_251] : memref<528xf32, #tpu.memory_space<vmem>>[vector<16xi32>], vector<16xf32>,
      %add3A_253 = arith.constant 9 : i32
      %add3A_254 = arith.addi %mul3A_212, %add3A_253 : i32
      %broadcast_in_dim3A_255 = vector.broadcast %add3A_254 : i32 to vector<16xi32>
      %gather3A_256 = tpu.vector_load_idx %arg13[%broadcast_in_dim3A_255] : memref<528xf32, #tpu.memory_space<vmem>>[vector<16xi32>], vector<16xf32>,
      %add3A_257 = arith.constant 10 : i32
      %add3A_258 = arith.addi %mul3A_212, %add3A_257 : i32
      %broadcast_in_dim3A_259 = vector.broadcast %add3A_258 : i32 to vector<16xi32>
      %gather3A_260 = tpu.vector_load_idx %arg13[%broadcast_in_dim3A_259] : memref<528xf32, #tpu.memory_space<vmem>>[vector<16xi32>], vector<16xf32>,
      %add3A_261 = arith.constant 11 : i32
      %add3A_262 = arith.addi %mul3A_212, %add3A_261 : i32
      %broadcast_in_dim3A_263 = vector.broadcast %add3A_262 : i32 to vector<16xi32>
      %gather3A_264 = tpu.vector_load_idx %arg13[%broadcast_in_dim3A_263] : memref<528xf32, #tpu.memory_space<vmem>>[vector<16xi32>], vector<16xf32>,
      %add3A_265 = arith.constant 12 : i32
      %add3A_266 = arith.addi %mul3A_212, %add3A_265 : i32
      %broadcast_in_dim3A_267 = vector.broadcast %add3A_266 : i32 to vector<16xi32>
      %gather3A_268 = tpu.vector_load_idx %arg13[%broadcast_in_dim3A_267] : memref<528xf32, #tpu.memory_space<vmem>>[vector<16xi32>], vector<16xf32>,
      %add3A_269 = arith.constant 13 : i32
      %add3A_270 = arith.addi %mul3A_212, %add3A_269 : i32
      %broadcast_in_dim3A_271 = vector.broadcast %add3A_270 : i32 to vector<16xi32>
      %gather3A_272 = tpu.vector_load_idx %arg13[%broadcast_in_dim3A_271] : memref<528xf32, #tpu.memory_space<vmem>>[vector<16xi32>], vector<16xf32>,
      %add3A_273 = arith.constant 14 : i32
      %add3A_274 = arith.addi %mul3A_212, %add3A_273 : i32
      %broadcast_in_dim3A_275 = vector.broadcast %add3A_274 : i32 to vector<16xi32>
      %gather3A_276 = tpu.vector_load_idx %arg13[%broadcast_in_dim3A_275] : memref<528xf32, #tpu.memory_space<vmem>>[vector<16xi32>], vector<16xf32>,
      %add3A_277 = arith.constant 15 : i32
      %add3A_278 = arith.addi %mul3A_212, %add3A_277 : i32
      %broadcast_in_dim3A_279 = vector.broadcast %add3A_278 : i32 to vector<16xi32>
      %gather3A_280 = tpu.vector_load_idx %arg13[%broadcast_in_dim3A_279] : memref<528xf32, #tpu.memory_space<vmem>>[vector<16xi32>], vector<16xf32>,
      %sub3A_281 = arith.subf %gather3A, %gather3A_220 : vector<16xf32>
      %abs3A = math.absf %sub3A_281 : vector<16xf32>
      %sub3A_282 = arith.constant 1.000000e+00 : f32
      %sub3A_283 = vector.broadcast %sub3A_282 : f32 to vector<16xf32>
      %sub3A_284 = arith.subf %sub3A_283, %abs3A : vector<16xf32>
      %max3A = arith.constant 0.000000e+00 : f32
      %max3A_285 = vector.broadcast %max3A : f32 to vector<16xf32>
      %max3A_286 = arith.maximumf %sub3A_284, %max3A_285 : vector<16xf32>
      %ge3A = arith.constant 0 : i32
      %ge3A_287 = vector.broadcast %ge3A : i32 to vector<16xi32>
      %ge3A_288 = arith.cmpi sge, %iota3A, %ge3A_287 : vector<16xi32>
      %and3A_289 = arith.andi %ge3A_288, %lt3A_216 : vector<16xi1>
      %jit3A_290 = arith.constant 0.000000e+00 : f32
      %broadcast_in_dim3A_291 = vector.broadcast %jit3A_290 : f32 to vector<16xf32>
      %select_n3A_292 = arith.select %and3A_289, %max3A_286, %broadcast_in_dim3A_291 : vector<16xi1>, vector<16xf32>
      %add3A_293 = arith.addf %while3A_204, %select_n3A_292 : vector<16xf32>
      %sub3A_294 = arith.subf %gather3A, %gather3A_224 : vector<16xf32>
      %abs3A_295 = math.absf %sub3A_294 : vector<16xf32>
      %sub3A_296 = arith.constant 1.000000e+00 : f32
      %sub3A_297 = vector.broadcast %sub3A_296 : f32 to vector<16xf32>
      %sub3A_298 = arith.subf %sub3A_297, %abs3A_295 : vector<16xf32>
      %max3A_299 = arith.constant 0.000000e+00 : f32
      %max3A_300 = vector.broadcast %max3A_299 : f32 to vector<16xf32>
      %max3A_301 = arith.maximumf %sub3A_298, %max3A_300 : vector<16xf32>
      %ge3A_302 = arith.constant 1 : i32
      %ge3A_303 = vector.broadcast %ge3A_302 : i32 to vector<16xi32>
      %ge3A_304 = arith.cmpi sge, %iota3A, %ge3A_303 : vector<16xi32>
      %and3A_305 = arith.andi %ge3A_304, %lt3A_216 : vector<16xi1>
      %jit3A_306 = arith.constant 0.000000e+00 : f32
      %broadcast_in_dim3A_307 = vector.broadcast %jit3A_306 : f32 to vector<16xf32>
      %select_n3A_308 = arith.select %and3A_305, %max3A_301, %broadcast_in_dim3A_307 : vector<16xi1>, vector<16xf32>
      %add3A_309 = arith.addf %while3A_205, %select_n3A_308 : vector<16xf32>
      %sub3A_310 = arith.subf %gather3A, %gather3A_228 : vector<16xf32>
      %abs3A_311 = math.absf %sub3A_310 : vector<16xf32>
      %sub3A_312 = arith.constant 1.000000e+00 : f32
      %sub3A_313 = vector.broadcast %sub3A_312 : f32 to vector<16xf32>
      %sub3A_314 = arith.subf %sub3A_313, %abs3A_311 : vector<16xf32>
      %max3A_315 = arith.constant 0.000000e+00 : f32
      %max3A_316 = vector.broadcast %max3A_315 : f32 to vector<16xf32>
      %max3A_317 = arith.maximumf %sub3A_314, %max3A_316 : vector<16xf32>
      %ge3A_318 = arith.constant 2 : i32
      %ge3A_319 = vector.broadcast %ge3A_318 : i32 to vector<16xi32>
      %ge3A_320 = arith.cmpi sge, %iota3A, %ge3A_319 : vector<16xi32>
      %and3A_321 = arith.andi %ge3A_320, %lt3A_216 : vector<16xi1>
      %jit3A_322 = arith.constant 0.000000e+00 : f32
      %broadcast_in_dim3A_323 = vector.broadcast %jit3A_322 : f32 to vector<16xf32>
      %select_n3A_324 = arith.select %and3A_321, %max3A_317, %broadcast_in_dim3A_323 : vector<16xi1>, vector<16xf32>
      %add3A_325 = arith.addf %while3A_206, %select_n3A_324 : vector<16xf32>
      %sub3A_326 = arith.subf %gather3A, %gather3A_232 : vector<16xf32>
      %abs3A_327 = math.absf %sub3A_326 : vector<16xf32>
      %sub3A_328 = arith.constant 1.000000e+00 : f32
      %sub3A_329 = vector.broadcast %sub3A_328 : f32 to vector<16xf32>
      %sub3A_330 = arith.subf %sub3A_329, %abs3A_327 : vector<16xf32>
      %max3A_331 = arith.constant 0.000000e+00 : f32
      %max3A_332 = vector.broadcast %max3A_331 : f32 to vector<16xf32>
      %max3A_333 = arith.maximumf %sub3A_330, %max3A_332 : vector<16xf32>
      %ge3A_334 = arith.constant 3 : i32
      %ge3A_335 = vector.broadcast %ge3A_334 : i32 to vector<16xi32>
      %ge3A_336 = arith.cmpi sge, %iota3A, %ge3A_335 : vector<16xi32>
      %and3A_337 = arith.andi %ge3A_336, %lt3A_216 : vector<16xi1>
      %jit3A_338 = arith.constant 0.000000e+00 : f32
      %broadcast_in_dim3A_339 = vector.broadcast %jit3A_338 : f32 to vector<16xf32>
      %select_n3A_340 = arith.select %and3A_337, %max3A_333, %broadcast_in_dim3A_339 : vector<16xi1>, vector<16xf32>
      %add3A_341 = arith.addf %while3A_207, %select_n3A_340 : vector<16xf32>
      %sub3A_342 = arith.subf %gather3A, %gather3A_236 : vector<16xf32>
      %abs3A_343 = math.absf %sub3A_342 : vector<16xf32>
      %sub3A_344 = arith.constant 1.000000e+00 : f32
      %sub3A_345 = vector.broadcast %sub3A_344 : f32 to vector<16xf32>
      %sub3A_346 = arith.subf %sub3A_345, %abs3A_343 : vector<16xf32>
      %max3A_347 = arith.constant 0.000000e+00 : f32
      %max3A_348 = vector.broadcast %max3A_347 : f32 to vector<16xf32>
      %max3A_349 = arith.maximumf %sub3A_346, %max3A_348 : vector<16xf32>
      %ge3A_350 = arith.constant 4 : i32
      %ge3A_351 = vector.broadcast %ge3A_350 : i32 to vector<16xi32>
      %ge3A_352 = arith.cmpi sge, %iota3A, %ge3A_351 : vector<16xi32>
      %and3A_353 = arith.andi %ge3A_352, %lt3A_216 : vector<16xi1>
      %jit3A_354 = arith.constant 0.000000e+00 : f32
      %broadcast_in_dim3A_355 = vector.broadcast %jit3A_354 : f32 to vector<16xf32>
      %select_n3A_356 = arith.select %and3A_353, %max3A_349, %broadcast_in_dim3A_355 : vector<16xi1>, vector<16xf32>
      %add3A_357 = arith.addf %add3A_293, %select_n3A_356 : vector<16xf32>
      %sub3A_358 = arith.subf %gather3A, %gather3A_240 : vector<16xf32>
      %abs3A_359 = math.absf %sub3A_358 : vector<16xf32>
      %sub3A_360 = arith.constant 1.000000e+00 : f32
      %sub3A_361 = vector.broadcast %sub3A_360 : f32 to vector<16xf32>
      %sub3A_362 = arith.subf %sub3A_361, %abs3A_359 : vector<16xf32>
      %max3A_363 = arith.constant 0.000000e+00 : f32
      %max3A_364 = vector.broadcast %max3A_363 : f32 to vector<16xf32>
      %max3A_365 = arith.maximumf %sub3A_362, %max3A_364 : vector<16xf32>
      %ge3A_366 = arith.constant 5 : i32
      %ge3A_367 = vector.broadcast %ge3A_366 : i32 to vector<16xi32>
      %ge3A_368 = arith.cmpi sge, %iota3A, %ge3A_367 : vector<16xi32>
      %and3A_369 = arith.andi %ge3A_368, %lt3A_216 : vector<16xi1>
      %jit3A_370 = arith.constant 0.000000e+00 : f32
      %broadcast_in_dim3A_371 = vector.broadcast %jit3A_370 : f32 to vector<16xf32>
      %select_n3A_372 = arith.select %and3A_369, %max3A_365, %broadcast_in_dim3A_371 : vector<16xi1>, vector<16xf32>
      %add3A_373 = arith.addf %add3A_309, %select_n3A_372 : vector<16xf32>
      %sub3A_374 = arith.subf %gather3A, %gather3A_244 : vector<16xf32>
      %abs3A_375 = math.absf %sub3A_374 : vector<16xf32>
      %sub3A_376 = arith.constant 1.000000e+00 : f32
      %sub3A_377 = vector.broadcast %sub3A_376 : f32 to vector<16xf32>
      %sub3A_378 = arith.subf %sub3A_377, %abs3A_375 : vector<16xf32>
      %max3A_379 = arith.constant 0.000000e+00 : f32
      %max3A_380 = vector.broadcast %max3A_379 : f32 to vector<16xf32>
      %max3A_381 = arith.maximumf %sub3A_378, %max3A_380 : vector<16xf32>
      %ge3A_382 = arith.constant 6 : i32
      %ge3A_383 = vector.broadcast %ge3A_382 : i32 to vector<16xi32>
      %ge3A_384 = arith.cmpi sge, %iota3A, %ge3A_383 : vector<16xi32>
      %and3A_385 = arith.andi %ge3A_384, %lt3A_216 : vector<16xi1>
      %jit3A_386 = arith.constant 0.000000e+00 : f32
      %broadcast_in_dim3A_387 = vector.broadcast %jit3A_386 : f32 to vector<16xf32>
      %select_n3A_388 = arith.select %and3A_385, %max3A_381, %broadcast_in_dim3A_387 : vector<16xi1>, vector<16xf32>
      %add3A_389 = arith.addf %add3A_325, %select_n3A_388 : vector<16xf32>
      %sub3A_390 = arith.subf %gather3A, %gather3A_248 : vector<16xf32>
      %abs3A_391 = math.absf %sub3A_390 : vector<16xf32>
      %sub3A_392 = arith.constant 1.000000e+00 : f32
      %sub3A_393 = vector.broadcast %sub3A_392 : f32 to vector<16xf32>
      %sub3A_394 = arith.subf %sub3A_393, %abs3A_391 : vector<16xf32>
      %max3A_395 = arith.constant 0.000000e+00 : f32
      %max3A_396 = vector.broadcast %max3A_395 : f32 to vector<16xf32>
      %max3A_397 = arith.maximumf %sub3A_394, %max3A_396 : vector<16xf32>
      %ge3A_398 = arith.constant 7 : i32
      %ge3A_399 = vector.broadcast %ge3A_398 : i32 to vector<16xi32>
      %ge3A_400 = arith.cmpi sge, %iota3A, %ge3A_399 : vector<16xi32>
      %and3A_401 = arith.andi %ge3A_400, %lt3A_216 : vector<16xi1>
      %jit3A_402 = arith.constant 0.000000e+00 : f32
      %broadcast_in_dim3A_403 = vector.broadcast %jit3A_402 : f32 to vector<16xf32>
      %select_n3A_404 = arith.select %and3A_401, %max3A_397, %broadcast_in_dim3A_403 : vector<16xi1>, vector<16xf32>
      %add3A_405 = arith.addf %add3A_341, %select_n3A_404 : vector<16xf32>
      %sub3A_406 = arith.subf %gather3A, %gather3A_252 : vector<16xf32>
      %abs3A_407 = math.absf %sub3A_406 : vector<16xf32>
      %sub3A_408 = arith.constant 1.000000e+00 : f32
      %sub3A_409 = vector.broadcast %sub3A_408 : f32 to vector<16xf32>
      %sub3A_410 = arith.subf %sub3A_409, %abs3A_407 : vector<16xf32>
      %max3A_411 = arith.constant 0.000000e+00 : f32
      %max3A_412 = vector.broadcast %max3A_411 : f32 to vector<16xf32>
      %max3A_413 = arith.maximumf %sub3A_410, %max3A_412 : vector<16xf32>
      %ge3A_414 = arith.constant 8 : i32
      %ge3A_415 = vector.broadcast %ge3A_414 : i32 to vector<16xi32>
      %ge3A_416 = arith.cmpi sge, %iota3A, %ge3A_415 : vector<16xi32>
      %and3A_417 = arith.andi %ge3A_416, %lt3A_216 : vector<16xi1>
      %jit3A_418 = arith.constant 0.000000e+00 : f32
      %broadcast_in_dim3A_419 = vector.broadcast %jit3A_418 : f32 to vector<16xf32>
      %select_n3A_420 = arith.select %and3A_417, %max3A_413, %broadcast_in_dim3A_419 : vector<16xi1>, vector<16xf32>
      %add3A_421 = arith.addf %add3A_357, %select_n3A_420 : vector<16xf32>
      %sub3A_422 = arith.subf %gather3A, %gather3A_256 : vector<16xf32>
      %abs3A_423 = math.absf %sub3A_422 : vector<16xf32>
      %sub3A_424 = arith.constant 1.000000e+00 : f32
      %sub3A_425 = vector.broadcast %sub3A_424 : f32 to vector<16xf32>
      %sub3A_426 = arith.subf %sub3A_425, %abs3A_423 : vector<16xf32>
      %max3A_427 = arith.constant 0.000000e+00 : f32
      %max3A_428 = vector.broadcast %max3A_427 : f32 to vector<16xf32>
      %max3A_429 = arith.maximumf %sub3A_426, %max3A_428 : vector<16xf32>
      %ge3A_430 = arith.constant 9 : i32
      %ge3A_431 = vector.broadcast %ge3A_430 : i32 to vector<16xi32>
      %ge3A_432 = arith.cmpi sge, %iota3A, %ge3A_431 : vector<16xi32>
      %and3A_433 = arith.andi %ge3A_432, %lt3A_216 : vector<16xi1>
      %jit3A_434 = arith.constant 0.000000e+00 : f32
      %broadcast_in_dim3A_435 = vector.broadcast %jit3A_434 : f32 to vector<16xf32>
      %select_n3A_436 = arith.select %and3A_433, %max3A_429, %broadcast_in_dim3A_435 : vector<16xi1>, vector<16xf32>
      %add3A_437 = arith.addf %add3A_373, %select_n3A_436 : vector<16xf32>
      %sub3A_438 = arith.subf %gather3A, %gather3A_260 : vector<16xf32>
      %abs3A_439 = math.absf %sub3A_438 : vector<16xf32>
      %sub3A_440 = arith.constant 1.000000e+00 : f32
      %sub3A_441 = vector.broadcast %sub3A_440 : f32 to vector<16xf32>
      %sub3A_442 = arith.subf %sub3A_441, %abs3A_439 : vector<16xf32>
      %max3A_443 = arith.constant 0.000000e+00 : f32
      %max3A_444 = vector.broadcast %max3A_443 : f32 to vector<16xf32>
      %max3A_445 = arith.maximumf %sub3A_442, %max3A_444 : vector<16xf32>
      %ge3A_446 = arith.constant 10 : i32
      %ge3A_447 = vector.broadcast %ge3A_446 : i32 to vector<16xi32>
      %ge3A_448 = arith.cmpi sge, %iota3A, %ge3A_447 : vector<16xi32>
      %and3A_449 = arith.andi %ge3A_448, %lt3A_216 : vector<16xi1>
      %jit3A_450 = arith.constant 0.000000e+00 : f32
      %broadcast_in_dim3A_451 = vector.broadcast %jit3A_450 : f32 to vector<16xf32>
      %select_n3A_452 = arith.select %and3A_449, %max3A_445, %broadcast_in_dim3A_451 : vector<16xi1>, vector<16xf32>
      %add3A_453 = arith.addf %add3A_389, %select_n3A_452 : vector<16xf32>
      %sub3A_454 = arith.subf %gather3A, %gather3A_264 : vector<16xf32>
      %abs3A_455 = math.absf %sub3A_454 : vector<16xf32>
      %sub3A_456 = arith.constant 1.000000e+00 : f32
      %sub3A_457 = vector.broadcast %sub3A_456 : f32 to vector<16xf32>
      %sub3A_458 = arith.subf %sub3A_457, %abs3A_455 : vector<16xf32>
      %max3A_459 = arith.constant 0.000000e+00 : f32
      %max3A_460 = vector.broadcast %max3A_459 : f32 to vector<16xf32>
      %max3A_461 = arith.maximumf %sub3A_458, %max3A_460 : vector<16xf32>
      %ge3A_462 = arith.constant 11 : i32
      %ge3A_463 = vector.broadcast %ge3A_462 : i32 to vector<16xi32>
      %ge3A_464 = arith.cmpi sge, %iota3A, %ge3A_463 : vector<16xi32>
      %and3A_465 = arith.andi %ge3A_464, %lt3A_216 : vector<16xi1>
      %jit3A_466 = arith.constant 0.000000e+00 : f32
      %broadcast_in_dim3A_467 = vector.broadcast %jit3A_466 : f32 to vector<16xf32>
      %select_n3A_468 = arith.select %and3A_465, %max3A_461, %broadcast_in_dim3A_467 : vector<16xi1>, vector<16xf32>
      %add3A_469 = arith.addf %add3A_405, %select_n3A_468 : vector<16xf32>
      %sub3A_470 = arith.subf %gather3A, %gather3A_268 : vector<16xf32>
      %abs3A_471 = math.absf %sub3A_470 : vector<16xf32>
      %sub3A_472 = arith.constant 1.000000e+00 : f32
      %sub3A_473 = vector.broadcast %sub3A_472 : f32 to vector<16xf32>
      %sub3A_474 = arith.subf %sub3A_473, %abs3A_471 : vector<16xf32>
      %max3A_475 = arith.constant 0.000000e+00 : f32
      %max3A_476 = vector.broadcast %max3A_475 : f32 to vector<16xf32>
      %max3A_477 = arith.maximumf %sub3A_474, %max3A_476 : vector<16xf32>
      %ge3A_478 = arith.constant 12 : i32
      %ge3A_479 = vector.broadcast %ge3A_478 : i32 to vector<16xi32>
      %ge3A_480 = arith.cmpi sge, %iota3A, %ge3A_479 : vector<16xi32>
      %and3A_481 = arith.andi %ge3A_480, %lt3A_216 : vector<16xi1>
      %jit3A_482 = arith.constant 0.000000e+00 : f32
      %broadcast_in_dim3A_483 = vector.broadcast %jit3A_482 : f32 to vector<16xf32>
      %select_n3A_484 = arith.select %and3A_481, %max3A_477, %broadcast_in_dim3A_483 : vector<16xi1>, vector<16xf32>
      %add3A_485 = arith.addf %add3A_421, %select_n3A_484 : vector<16xf32>
      %sub3A_486 = arith.subf %gather3A, %gather3A_272 : vector<16xf32>
      %abs3A_487 = math.absf %sub3A_486 : vector<16xf32>
      %sub3A_488 = arith.constant 1.000000e+00 : f32
      %sub3A_489 = vector.broadcast %sub3A_488 : f32 to vector<16xf32>
      %sub3A_490 = arith.subf %sub3A_489, %abs3A_487 : vector<16xf32>
      %max3A_491 = arith.constant 0.000000e+00 : f32
      %max3A_492 = vector.broadcast %max3A_491 : f32 to vector<16xf32>
      %max3A_493 = arith.maximumf %sub3A_490, %max3A_492 : vector<16xf32>
      %ge3A_494 = arith.constant 13 : i32
      %ge3A_495 = vector.broadcast %ge3A_494 : i32 to vector<16xi32>
      %ge3A_496 = arith.cmpi sge, %iota3A, %ge3A_495 : vector<16xi32>
      %and3A_497 = arith.andi %ge3A_496, %lt3A_216 : vector<16xi1>
      %jit3A_498 = arith.constant 0.000000e+00 : f32
      %broadcast_in_dim3A_499 = vector.broadcast %jit3A_498 : f32 to vector<16xf32>
      %select_n3A_500 = arith.select %and3A_497, %max3A_493, %broadcast_in_dim3A_499 : vector<16xi1>, vector<16xf32>
      %add3A_501 = arith.addf %add3A_437, %select_n3A_500 : vector<16xf32>
      %sub3A_502 = arith.subf %gather3A, %gather3A_276 : vector<16xf32>
      %abs3A_503 = math.absf %sub3A_502 : vector<16xf32>
      %sub3A_504 = arith.constant 1.000000e+00 : f32
      %sub3A_505 = vector.broadcast %sub3A_504 : f32 to vector<16xf32>
      %sub3A_506 = arith.subf %sub3A_505, %abs3A_503 : vector<16xf32>
      %max3A_507 = arith.constant 0.000000e+00 : f32
      %max3A_508 = vector.broadcast %max3A_507 : f32 to vector<16xf32>
      %max3A_509 = arith.maximumf %sub3A_506, %max3A_508 : vector<16xf32>
      %ge3A_510 = arith.constant 14 : i32
      %ge3A_511 = vector.broadcast %ge3A_510 : i32 to vector<16xi32>
      %ge3A_512 = arith.cmpi sge, %iota3A, %ge3A_511 : vector<16xi32>
      %and3A_513 = arith.andi %ge3A_512, %lt3A_216 : vector<16xi1>
      %jit3A_514 = arith.constant 0.000000e+00 : f32
      %broadcast_in_dim3A_515 = vector.broadcast %jit3A_514 : f32 to vector<16xf32>
      %select_n3A_516 = arith.select %and3A_513, %max3A_509, %broadcast_in_dim3A_515 : vector<16xi1>, vector<16xf32>
      %add3A_517 = arith.addf %add3A_453, %select_n3A_516 : vector<16xf32>
      %sub3A_518 = arith.subf %gather3A, %gather3A_280 : vector<16xf32>
      %abs3A_519 = math.absf %sub3A_518 : vector<16xf32>
      %sub3A_520 = arith.constant 1.000000e+00 : f32
      %sub3A_521 = vector.broadcast %sub3A_520 : f32 to vector<16xf32>
      %sub3A_522 = arith.subf %sub3A_521, %abs3A_519 : vector<16xf32>
      %max3A_523 = arith.constant 0.000000e+00 : f32
      %max3A_524 = vector.broadcast %max3A_523 : f32 to vector<16xf32>
      %max3A_525 = arith.maximumf %sub3A_522, %max3A_524 : vector<16xf32>
      %ge3A_526 = arith.constant 15 : i32
      %ge3A_527 = vector.broadcast %ge3A_526 : i32 to vector<16xi32>
      %ge3A_528 = arith.cmpi sge, %iota3A, %ge3A_527 : vector<16xi32>
      %and3A_529 = arith.andi %ge3A_528, %lt3A_216 : vector<16xi1>
      %jit3A_530 = arith.constant 0.000000e+00 : f32
      %broadcast_in_dim3A_531 = vector.broadcast %jit3A_530 : f32 to vector<16xf32>
      %select_n3A_532 = arith.select %and3A_529, %max3A_525, %broadcast_in_dim3A_531 : vector<16xi1>, vector<16xf32>
      %add3A_533 = arith.addf %add3A_469, %select_n3A_532 : vector<16xf32>
      %add3A_534 = arith.constant 1 : i32
      %add3A_535 = arith.addi %add3A_210, %add3A_534 : i32
      %while3A_536 = arith.subi %shift_right_arithmetic3A_130, %add3A_535 : i32
      %while3A_537 = arith.addi %add3A_535, %while3A_536 : i32
      %while3A_538 = arith.constant 1 : i32
      %while3A_539 = arith.divsi %while3A_536, %while3A_538 : i32
      %while3A_540 = arith.muli %while3A_539, %while3A_538 : i32
      %while3A_541 = arith.addi %add3A_535, %while3A_540 : i32
      %while3A_542 = arith.constant 1 : i32
      %while3A_543:4 = scf.for %while3A_546 = %add3A_535 to %while3A_541 step %while3A_542 iter_args(%while3A_547 = %add3A_485, %while3A_548 = %add3A_501, %while3A_549 = %add3A_517, %while3A_550 = %add3A_533) -> (vector<16xf32>, vector<16xf32>, vector<16xf32>, vector<16xf32>)  : i32 {
        %mul3A_551 = arith.constant 16 : i32
        %mul3A_552 = arith.muli %while3A_546, %mul3A_551 : i32
        %broadcast_in_dim3A_553 = vector.broadcast %mul3A_552 : i32 to vector<16xi32>
        %add3A_554 = arith.addi %broadcast_in_dim3A_553, %iota3A : vector<16xi32>
        %gather3A_555 = tpu.vector_load_idx %arg13[%add3A_554] : memref<528xf32, #tpu.memory_space<vmem>>[vector<16xi32>], vector<16xf32>,
        %sub3A_556 = arith.subf %gather3A_555, %gather3A_220 : vector<16xf32>
        %abs3A_557 = math.absf %sub3A_556 : vector<16xf32>
        %sub3A_558 = arith.constant 1.000000e+00 : f32
        %sub3A_559 = vector.broadcast %sub3A_558 : f32 to vector<16xf32>
        %sub3A_560 = arith.subf %sub3A_559, %abs3A_557 : vector<16xf32>
        %max3A_561 = arith.constant 0.000000e+00 : f32
        %max3A_562 = vector.broadcast %max3A_561 : f32 to vector<16xf32>
        %max3A_563 = arith.maximumf %sub3A_560, %max3A_562 : vector<16xf32>
        %add3A_564 = arith.addf %while3A_547, %max3A_563 : vector<16xf32>
        %sub3A_565 = arith.subf %gather3A_555, %gather3A_224 : vector<16xf32>
        %abs3A_566 = math.absf %sub3A_565 : vector<16xf32>
        %sub3A_567 = arith.constant 1.000000e+00 : f32
        %sub3A_568 = vector.broadcast %sub3A_567 : f32 to vector<16xf32>
        %sub3A_569 = arith.subf %sub3A_568, %abs3A_566 : vector<16xf32>
        %max3A_570 = arith.constant 0.000000e+00 : f32
        %max3A_571 = vector.broadcast %max3A_570 : f32 to vector<16xf32>
        %max3A_572 = arith.maximumf %sub3A_569, %max3A_571 : vector<16xf32>
        %add3A_573 = arith.addf %while3A_548, %max3A_572 : vector<16xf32>
        %sub3A_574 = arith.subf %gather3A_555, %gather3A_228 : vector<16xf32>
        %abs3A_575 = math.absf %sub3A_574 : vector<16xf32>
        %sub3A_576 = arith.constant 1.000000e+00 : f32
        %sub3A_577 = vector.broadcast %sub3A_576 : f32 to vector<16xf32>
        %sub3A_578 = arith.subf %sub3A_577, %abs3A_575 : vector<16xf32>
        %max3A_579 = arith.constant 0.000000e+00 : f32
        %max3A_580 = vector.broadcast %max3A_579 : f32 to vector<16xf32>
        %max3A_581 = arith.maximumf %sub3A_578, %max3A_580 : vector<16xf32>
        %add3A_582 = arith.addf %while3A_549, %max3A_581 : vector<16xf32>
        %sub3A_583 = arith.subf %gather3A_555, %gather3A_232 : vector<16xf32>
        %abs3A_584 = math.absf %sub3A_583 : vector<16xf32>
        %sub3A_585 = arith.constant 1.000000e+00 : f32
        %sub3A_586 = vector.broadcast %sub3A_585 : f32 to vector<16xf32>
        %sub3A_587 = arith.subf %sub3A_586, %abs3A_584 : vector<16xf32>
        %max3A_588 = arith.constant 0.000000e+00 : f32
        %max3A_589 = vector.broadcast %max3A_588 : f32 to vector<16xf32>
        %max3A_590 = arith.maximumf %sub3A_587, %max3A_589 : vector<16xf32>
        %add3A_591 = arith.addf %while3A_550, %max3A_590 : vector<16xf32>
        %sub3A_592 = arith.subf %gather3A_555, %gather3A_236 : vector<16xf32>
        %abs3A_593 = math.absf %sub3A_592 : vector<16xf32>
        %sub3A_594 = arith.constant 1.000000e+00 : f32
        %sub3A_595 = vector.broadcast %sub3A_594 : f32 to vector<16xf32>
        %sub3A_596 = arith.subf %sub3A_595, %abs3A_593 : vector<16xf32>
        %max3A_597 = arith.constant 0.000000e+00 : f32
        %max3A_598 = vector.broadcast %max3A_597 : f32 to vector<16xf32>
        %max3A_599 = arith.maximumf %sub3A_596, %max3A_598 : vector<16xf32>
        %add3A_600 = arith.addf %add3A_564, %max3A_599 : vector<16xf32>
        %sub3A_601 = arith.subf %gather3A_555, %gather3A_240 : vector<16xf32>
        %abs3A_602 = math.absf %sub3A_601 : vector<16xf32>
        %sub3A_603 = arith.constant 1.000000e+00 : f32
        %sub3A_604 = vector.broadcast %sub3A_603 : f32 to vector<16xf32>
        %sub3A_605 = arith.subf %sub3A_604, %abs3A_602 : vector<16xf32>
        %max3A_606 = arith.constant 0.000000e+00 : f32
        %max3A_607 = vector.broadcast %max3A_606 : f32 to vector<16xf32>
        %max3A_608 = arith.maximumf %sub3A_605, %max3A_607 : vector<16xf32>
        %add3A_609 = arith.addf %add3A_573, %max3A_608 : vector<16xf32>
        %sub3A_610 = arith.subf %gather3A_555, %gather3A_244 : vector<16xf32>
        %abs3A_611 = math.absf %sub3A_610 : vector<16xf32>
        %sub3A_612 = arith.constant 1.000000e+00 : f32
        %sub3A_613 = vector.broadcast %sub3A_612 : f32 to vector<16xf32>
        %sub3A_614 = arith.subf %sub3A_613, %abs3A_611 : vector<16xf32>
        %max3A_615 = arith.constant 0.000000e+00 : f32
        %max3A_616 = vector.broadcast %max3A_615 : f32 to vector<16xf32>
        %max3A_617 = arith.maximumf %sub3A_614, %max3A_616 : vector<16xf32>
        %add3A_618 = arith.addf %add3A_582, %max3A_617 : vector<16xf32>
        %sub3A_619 = arith.subf %gather3A_555, %gather3A_248 : vector<16xf32>
        %abs3A_620 = math.absf %sub3A_619 : vector<16xf32>
        %sub3A_621 = arith.constant 1.000000e+00 : f32
        %sub3A_622 = vector.broadcast %sub3A_621 : f32 to vector<16xf32>
        %sub3A_623 = arith.subf %sub3A_622, %abs3A_620 : vector<16xf32>
        %max3A_624 = arith.constant 0.000000e+00 : f32
        %max3A_625 = vector.broadcast %max3A_624 : f32 to vector<16xf32>
        %max3A_626 = arith.maximumf %sub3A_623, %max3A_625 : vector<16xf32>
        %add3A_627 = arith.addf %add3A_591, %max3A_626 : vector<16xf32>
        %sub3A_628 = arith.subf %gather3A_555, %gather3A_252 : vector<16xf32>
        %abs3A_629 = math.absf %sub3A_628 : vector<16xf32>
        %sub3A_630 = arith.constant 1.000000e+00 : f32
        %sub3A_631 = vector.broadcast %sub3A_630 : f32 to vector<16xf32>
        %sub3A_632 = arith.subf %sub3A_631, %abs3A_629 : vector<16xf32>
        %max3A_633 = arith.constant 0.000000e+00 : f32
        %max3A_634 = vector.broadcast %max3A_633 : f32 to vector<16xf32>
        %max3A_635 = arith.maximumf %sub3A_632, %max3A_634 : vector<16xf32>
        %add3A_636 = arith.addf %add3A_600, %max3A_635 : vector<16xf32>
        %sub3A_637 = arith.subf %gather3A_555, %gather3A_256 : vector<16xf32>
        %abs3A_638 = math.absf %sub3A_637 : vector<16xf32>
        %sub3A_639 = arith.constant 1.000000e+00 : f32
        %sub3A_640 = vector.broadcast %sub3A_639 : f32 to vector<16xf32>
        %sub3A_641 = arith.subf %sub3A_640, %abs3A_638 : vector<16xf32>
        %max3A_642 = arith.constant 0.000000e+00 : f32
        %max3A_643 = vector.broadcast %max3A_642 : f32 to vector<16xf32>
        %max3A_644 = arith.maximumf %sub3A_641, %max3A_643 : vector<16xf32>
        %add3A_645 = arith.addf %add3A_609, %max3A_644 : vector<16xf32>
        %sub3A_646 = arith.subf %gather3A_555, %gather3A_260 : vector<16xf32>
        %abs3A_647 = math.absf %sub3A_646 : vector<16xf32>
        %sub3A_648 = arith.constant 1.000000e+00 : f32
        %sub3A_649 = vector.broadcast %sub3A_648 : f32 to vector<16xf32>
        %sub3A_650 = arith.subf %sub3A_649, %abs3A_647 : vector<16xf32>
        %max3A_651 = arith.constant 0.000000e+00 : f32
        %max3A_652 = vector.broadcast %max3A_651 : f32 to vector<16xf32>
        %max3A_653 = arith.maximumf %sub3A_650, %max3A_652 : vector<16xf32>
        %add3A_654 = arith.addf %add3A_618, %max3A_653 : vector<16xf32>
        %sub3A_655 = arith.subf %gather3A_555, %gather3A_264 : vector<16xf32>
        %abs3A_656 = math.absf %sub3A_655 : vector<16xf32>
        %sub3A_657 = arith.constant 1.000000e+00 : f32
        %sub3A_658 = vector.broadcast %sub3A_657 : f32 to vector<16xf32>
        %sub3A_659 = arith.subf %sub3A_658, %abs3A_656 : vector<16xf32>
        %max3A_660 = arith.constant 0.000000e+00 : f32
        %max3A_661 = vector.broadcast %max3A_660 : f32 to vector<16xf32>
        %max3A_662 = arith.maximumf %sub3A_659, %max3A_661 : vector<16xf32>
        %add3A_663 = arith.addf %add3A_627, %max3A_662 : vector<16xf32>
        %sub3A_664 = arith.subf %gather3A_555, %gather3A_268 : vector<16xf32>
        %abs3A_665 = math.absf %sub3A_664 : vector<16xf32>
        %sub3A_666 = arith.constant 1.000000e+00 : f32
        %sub3A_667 = vector.broadcast %sub3A_666 : f32 to vector<16xf32>
        %sub3A_668 = arith.subf %sub3A_667, %abs3A_665 : vector<16xf32>
        %max3A_669 = arith.constant 0.000000e+00 : f32
        %max3A_670 = vector.broadcast %max3A_669 : f32 to vector<16xf32>
        %max3A_671 = arith.maximumf %sub3A_668, %max3A_670 : vector<16xf32>
        %add3A_672 = arith.addf %add3A_636, %max3A_671 : vector<16xf32>
        %sub3A_673 = arith.subf %gather3A_555, %gather3A_272 : vector<16xf32>
        %abs3A_674 = math.absf %sub3A_673 : vector<16xf32>
        %sub3A_675 = arith.constant 1.000000e+00 : f32
        %sub3A_676 = vector.broadcast %sub3A_675 : f32 to vector<16xf32>
        %sub3A_677 = arith.subf %sub3A_676, %abs3A_674 : vector<16xf32>
        %max3A_678 = arith.constant 0.000000e+00 : f32
        %max3A_679 = vector.broadcast %max3A_678 : f32 to vector<16xf32>
        %max3A_680 = arith.maximumf %sub3A_677, %max3A_679 : vector<16xf32>
        %add3A_681 = arith.addf %add3A_645, %max3A_680 : vector<16xf32>
        %sub3A_682 = arith.subf %gather3A_555, %gather3A_276 : vector<16xf32>
        %abs3A_683 = math.absf %sub3A_682 : vector<16xf32>
        %sub3A_684 = arith.constant 1.000000e+00 : f32
        %sub3A_685 = vector.broadcast %sub3A_684 : f32 to vector<16xf32>
        %sub3A_686 = arith.subf %sub3A_685, %abs3A_683 : vector<16xf32>
        %max3A_687 = arith.constant 0.000000e+00 : f32
        %max3A_688 = vector.broadcast %max3A_687 : f32 to vector<16xf32>
        %max3A_689 = arith.maximumf %sub3A_686, %max3A_688 : vector<16xf32>
        %add3A_690 = arith.addf %add3A_654, %max3A_689 : vector<16xf32>
        %sub3A_691 = arith.subf %gather3A_555, %gather3A_280 : vector<16xf32>
        %abs3A_692 = math.absf %sub3A_691 : vector<16xf32>
        %sub3A_693 = arith.constant 1.000000e+00 : f32
        %sub3A_694 = vector.broadcast %sub3A_693 : f32 to vector<16xf32>
        %sub3A_695 = arith.subf %sub3A_694, %abs3A_692 : vector<16xf32>
        %max3A_696 = arith.constant 0.000000e+00 : f32
        %max3A_697 = vector.broadcast %max3A_696 : f32 to vector<16xf32>
        %max3A_698 = arith.maximumf %sub3A_695, %max3A_697 : vector<16xf32>
        %add3A_699 = arith.addf %add3A_663, %max3A_698 : vector<16xf32>
        scf.yield %add3A_672, %add3A_681, %add3A_690, %add3A_699 : vector<16xf32>, vector<16xf32>, vector<16xf32>, vector<16xf32>
      }
      %while3A_544 = arith.constant 1 : i32
      %while3A_545:4 = scf.for %while3A_546 = %while3A_541 to %while3A_537 step %while3A_544 iter_args(%while3A_547 = %while3A_543#0, %while3A_548 = %while3A_543#1, %while3A_549 = %while3A_543#2, %while3A_550 = %while3A_543#3) -> (vector<16xf32>, vector<16xf32>, vector<16xf32>, vector<16xf32>)  : i32 {
        %mul3A_551 = arith.constant 16 : i32
        %mul3A_552 = arith.muli %while3A_546, %mul3A_551 : i32
        %broadcast_in_dim3A_553 = vector.broadcast %mul3A_552 : i32 to vector<16xi32>
        %add3A_554 = arith.addi %broadcast_in_dim3A_553, %iota3A : vector<16xi32>
        %gather3A_555 = tpu.vector_load_idx %arg13[%add3A_554] : memref<528xf32, #tpu.memory_space<vmem>>[vector<16xi32>], vector<16xf32>,
        %sub3A_556 = arith.subf %gather3A_555, %gather3A_220 : vector<16xf32>
        %abs3A_557 = math.absf %sub3A_556 : vector<16xf32>
        %sub3A_558 = arith.constant 1.000000e+00 : f32
        %sub3A_559 = vector.broadcast %sub3A_558 : f32 to vector<16xf32>
        %sub3A_560 = arith.subf %sub3A_559, %abs3A_557 : vector<16xf32>
        %max3A_561 = arith.constant 0.000000e+00 : f32
        %max3A_562 = vector.broadcast %max3A_561 : f32 to vector<16xf32>
        %max3A_563 = arith.maximumf %sub3A_560, %max3A_562 : vector<16xf32>
        %add3A_564 = arith.addf %while3A_547, %max3A_563 : vector<16xf32>
        %sub3A_565 = arith.subf %gather3A_555, %gather3A_224 : vector<16xf32>
        %abs3A_566 = math.absf %sub3A_565 : vector<16xf32>
        %sub3A_567 = arith.constant 1.000000e+00 : f32
        %sub3A_568 = vector.broadcast %sub3A_567 : f32 to vector<16xf32>
        %sub3A_569 = arith.subf %sub3A_568, %abs3A_566 : vector<16xf32>
        %max3A_570 = arith.constant 0.000000e+00 : f32
        %max3A_571 = vector.broadcast %max3A_570 : f32 to vector<16xf32>
        %max3A_572 = arith.maximumf %sub3A_569, %max3A_571 : vector<16xf32>
        %add3A_573 = arith.addf %while3A_548, %max3A_572 : vector<16xf32>
        %sub3A_574 = arith.subf %gather3A_555, %gather3A_228 : vector<16xf32>
        %abs3A_575 = math.absf %sub3A_574 : vector<16xf32>
        %sub3A_576 = arith.constant 1.000000e+00 : f32
        %sub3A_577 = vector.broadcast %sub3A_576 : f32 to vector<16xf32>
        %sub3A_578 = arith.subf %sub3A_577, %abs3A_575 : vector<16xf32>
        %max3A_579 = arith.constant 0.000000e+00 : f32
        %max3A_580 = vector.broadcast %max3A_579 : f32 to vector<16xf32>
        %max3A_581 = arith.maximumf %sub3A_578, %max3A_580 : vector<16xf32>
        %add3A_582 = arith.addf %while3A_549, %max3A_581 : vector<16xf32>
        %sub3A_583 = arith.subf %gather3A_555, %gather3A_232 : vector<16xf32>
        %abs3A_584 = math.absf %sub3A_583 : vector<16xf32>
        %sub3A_585 = arith.constant 1.000000e+00 : f32
        %sub3A_586 = vector.broadcast %sub3A_585 : f32 to vector<16xf32>
        %sub3A_587 = arith.subf %sub3A_586, %abs3A_584 : vector<16xf32>
        %max3A_588 = arith.constant 0.000000e+00 : f32
        %max3A_589 = vector.broadcast %max3A_588 : f32 to vector<16xf32>
        %max3A_590 = arith.maximumf %sub3A_587, %max3A_589 : vector<16xf32>
        %add3A_591 = arith.addf %while3A_550, %max3A_590 : vector<16xf32>
        %sub3A_592 = arith.subf %gather3A_555, %gather3A_236 : vector<16xf32>
        %abs3A_593 = math.absf %sub3A_592 : vector<16xf32>
        %sub3A_594 = arith.constant 1.000000e+00 : f32
        %sub3A_595 = vector.broadcast %sub3A_594 : f32 to vector<16xf32>
        %sub3A_596 = arith.subf %sub3A_595, %abs3A_593 : vector<16xf32>
        %max3A_597 = arith.constant 0.000000e+00 : f32
        %max3A_598 = vector.broadcast %max3A_597 : f32 to vector<16xf32>
        %max3A_599 = arith.maximumf %sub3A_596, %max3A_598 : vector<16xf32>
        %add3A_600 = arith.addf %add3A_564, %max3A_599 : vector<16xf32>
        %sub3A_601 = arith.subf %gather3A_555, %gather3A_240 : vector<16xf32>
        %abs3A_602 = math.absf %sub3A_601 : vector<16xf32>
        %sub3A_603 = arith.constant 1.000000e+00 : f32
        %sub3A_604 = vector.broadcast %sub3A_603 : f32 to vector<16xf32>
        %sub3A_605 = arith.subf %sub3A_604, %abs3A_602 : vector<16xf32>
        %max3A_606 = arith.constant 0.000000e+00 : f32
        %max3A_607 = vector.broadcast %max3A_606 : f32 to vector<16xf32>
        %max3A_608 = arith.maximumf %sub3A_605, %max3A_607 : vector<16xf32>
        %add3A_609 = arith.addf %add3A_573, %max3A_608 : vector<16xf32>
        %sub3A_610 = arith.subf %gather3A_555, %gather3A_244 : vector<16xf32>
        %abs3A_611 = math.absf %sub3A_610 : vector<16xf32>
        %sub3A_612 = arith.constant 1.000000e+00 : f32
        %sub3A_613 = vector.broadcast %sub3A_612 : f32 to vector<16xf32>
        %sub3A_614 = arith.subf %sub3A_613, %abs3A_611 : vector<16xf32>
        %max3A_615 = arith.constant 0.000000e+00 : f32
        %max3A_616 = vector.broadcast %max3A_615 : f32 to vector<16xf32>
        %max3A_617 = arith.maximumf %sub3A_614, %max3A_616 : vector<16xf32>
        %add3A_618 = arith.addf %add3A_582, %max3A_617 : vector<16xf32>
        %sub3A_619 = arith.subf %gather3A_555, %gather3A_248 : vector<16xf32>
        %abs3A_620 = math.absf %sub3A_619 : vector<16xf32>
        %sub3A_621 = arith.constant 1.000000e+00 : f32
        %sub3A_622 = vector.broadcast %sub3A_621 : f32 to vector<16xf32>
        %sub3A_623 = arith.subf %sub3A_622, %abs3A_620 : vector<16xf32>
        %max3A_624 = arith.constant 0.000000e+00 : f32
        %max3A_625 = vector.broadcast %max3A_624 : f32 to vector<16xf32>
        %max3A_626 = arith.maximumf %sub3A_623, %max3A_625 : vector<16xf32>
        %add3A_627 = arith.addf %add3A_591, %max3A_626 : vector<16xf32>
        %sub3A_628 = arith.subf %gather3A_555, %gather3A_252 : vector<16xf32>
        %abs3A_629 = math.absf %sub3A_628 : vector<16xf32>
        %sub3A_630 = arith.constant 1.000000e+00 : f32
        %sub3A_631 = vector.broadcast %sub3A_630 : f32 to vector<16xf32>
        %sub3A_632 = arith.subf %sub3A_631, %abs3A_629 : vector<16xf32>
        %max3A_633 = arith.constant 0.000000e+00 : f32
        %max3A_634 = vector.broadcast %max3A_633 : f32 to vector<16xf32>
        %max3A_635 = arith.maximumf %sub3A_632, %max3A_634 : vector<16xf32>
        %add3A_636 = arith.addf %add3A_600, %max3A_635 : vector<16xf32>
        %sub3A_637 = arith.subf %gather3A_555, %gather3A_256 : vector<16xf32>
        %abs3A_638 = math.absf %sub3A_637 : vector<16xf32>
        %sub3A_639 = arith.constant 1.000000e+00 : f32
        %sub3A_640 = vector.broadcast %sub3A_639 : f32 to vector<16xf32>
        %sub3A_641 = arith.subf %sub3A_640, %abs3A_638 : vector<16xf32>
        %max3A_642 = arith.constant 0.000000e+00 : f32
        %max3A_643 = vector.broadcast %max3A_642 : f32 to vector<16xf32>
        %max3A_644 = arith.maximumf %sub3A_641, %max3A_643 : vector<16xf32>
        %add3A_645 = arith.addf %add3A_609, %max3A_644 : vector<16xf32>
        %sub3A_646 = arith.subf %gather3A_555, %gather3A_260 : vector<16xf32>
        %abs3A_647 = math.absf %sub3A_646 : vector<16xf32>
        %sub3A_648 = arith.constant 1.000000e+00 : f32
        %sub3A_649 = vector.broadcast %sub3A_648 : f32 to vector<16xf32>
        %sub3A_650 = arith.subf %sub3A_649, %abs3A_647 : vector<16xf32>
        %max3A_651 = arith.constant 0.000000e+00 : f32
        %max3A_652 = vector.broadcast %max3A_651 : f32 to vector<16xf32>
        %max3A_653 = arith.maximumf %sub3A_650, %max3A_652 : vector<16xf32>
        %add3A_654 = arith.addf %add3A_618, %max3A_653 : vector<16xf32>
        %sub3A_655 = arith.subf %gather3A_555, %gather3A_264 : vector<16xf32>
        %abs3A_656 = math.absf %sub3A_655 : vector<16xf32>
        %sub3A_657 = arith.constant 1.000000e+00 : f32
        %sub3A_658 = vector.broadcast %sub3A_657 : f32 to vector<16xf32>
        %sub3A_659 = arith.subf %sub3A_658, %abs3A_656 : vector<16xf32>
        %max3A_660 = arith.constant 0.000000e+00 : f32
        %max3A_661 = vector.broadcast %max3A_660 : f32 to vector<16xf32>
        %max3A_662 = arith.maximumf %sub3A_659, %max3A_661 : vector<16xf32>
        %add3A_663 = arith.addf %add3A_627, %max3A_662 : vector<16xf32>
        %sub3A_664 = arith.subf %gather3A_555, %gather3A_268 : vector<16xf32>
        %abs3A_665 = math.absf %sub3A_664 : vector<16xf32>
        %sub3A_666 = arith.constant 1.000000e+00 : f32
        %sub3A_667 = vector.broadcast %sub3A_666 : f32 to vector<16xf32>
        %sub3A_668 = arith.subf %sub3A_667, %abs3A_665 : vector<16xf32>
        %max3A_669 = arith.constant 0.000000e+00 : f32
        %max3A_670 = vector.broadcast %max3A_669 : f32 to vector<16xf32>
        %max3A_671 = arith.maximumf %sub3A_668, %max3A_670 : vector<16xf32>
        %add3A_672 = arith.addf %add3A_636, %max3A_671 : vector<16xf32>
        %sub3A_673 = arith.subf %gather3A_555, %gather3A_272 : vector<16xf32>
        %abs3A_674 = math.absf %sub3A_673 : vector<16xf32>
        %sub3A_675 = arith.constant 1.000000e+00 : f32
        %sub3A_676 = vector.broadcast %sub3A_675 : f32 to vector<16xf32>
        %sub3A_677 = arith.subf %sub3A_676, %abs3A_674 : vector<16xf32>
        %max3A_678 = arith.constant 0.000000e+00 : f32
        %max3A_679 = vector.broadcast %max3A_678 : f32 to vector<16xf32>
        %max3A_680 = arith.maximumf %sub3A_677, %max3A_679 : vector<16xf32>
        %add3A_681 = arith.addf %add3A_645, %max3A_680 : vector<16xf32>
        %sub3A_682 = arith.subf %gather3A_555, %gather3A_276 : vector<16xf32>
        %abs3A_683 = math.absf %sub3A_682 : vector<16xf32>
        %sub3A_684 = arith.constant 1.000000e+00 : f32
        %sub3A_685 = vector.broadcast %sub3A_684 : f32 to vector<16xf32>
        %sub3A_686 = arith.subf %sub3A_685, %abs3A_683 : vector<16xf32>
        %max3A_687 = arith.constant 0.000000e+00 : f32
        %max3A_688 = vector.broadcast %max3A_687 : f32 to vector<16xf32>
        %max3A_689 = arith.maximumf %sub3A_686, %max3A_688 : vector<16xf32>
        %add3A_690 = arith.addf %add3A_654, %max3A_689 : vector<16xf32>
        %sub3A_691 = arith.subf %gather3A_555, %gather3A_280 : vector<16xf32>
        %abs3A_692 = math.absf %sub3A_691 : vector<16xf32>
        %sub3A_693 = arith.constant 1.000000e+00 : f32
        %sub3A_694 = vector.broadcast %sub3A_693 : f32 to vector<16xf32>
        %sub3A_695 = arith.subf %sub3A_694, %abs3A_692 : vector<16xf32>
        %max3A_696 = arith.constant 0.000000e+00 : f32
        %max3A_697 = vector.broadcast %max3A_696 : f32 to vector<16xf32>
        %max3A_698 = arith.maximumf %sub3A_695, %max3A_697 : vector<16xf32>
        %add3A_699 = arith.addf %add3A_663, %max3A_698 : vector<16xf32>
        scf.yield %add3A_672, %add3A_681, %add3A_690, %add3A_699 : vector<16xf32>, vector<16xf32>, vector<16xf32>, vector<16xf32>
      }
      scf.yield %while3A_545#0, %while3A_545#1, %while3A_545#2, %while3A_545#3 : vector<16xf32>, vector<16xf32>, vector<16xf32>, vector<16xf32>
    }
    %add3A_148 = arith.addf %while3A_147#0, %while3A_147#1 : vector<16xf32>
    %add3A_149 = arith.addf %add3A_148, %while3A_147#2 : vector<16xf32>
    %add3A_150 = arith.addf %add3A_149, %while3A_147#3 : vector<16xf32>
    %reduce_sum3A_151 = arith.constant true
    %reduce_sum3A_152 = vector.broadcast %reduce_sum3A_151 : i1 to vector<16xi1>
    %reduce_sum3A_153 = tpu.scan <sum>, %add3A_150 masked %reduce_sum3A_152 : vector<16xf32>, vector<16xi1> -> vector<16xf32>
    %reduce_sum3A_154 = vector.extract %reduce_sum3A_153[15] : f32 from vector<16xf32>
    %eq3A_155 = arith.constant 0 : i32
    %eq3A_156 = arith.cmpi eq, %and3A_2, %eq3A_155 : i32
    %convert_element_type3A_157 = arith.sitofp %scan3A_97 : i32 to f32
    %broadcast_in_dim3A_158 = vector.broadcast %convert_element_type3A_157 : f32 to vector<16xf32>
    %jit3A = arith.constant 0.000000e+00 : f32
    %select_n3A = arith.select %eq3A_156, %reduce_sum3A_124, %jit3A : f32
    %broadcast_in_dim3A_159 = vector.broadcast %select_n3A : f32 to vector<16xf32>
    %add3A_160 = arith.constant 9.99999974E-5 : f32
    %add3A_161 = vector.broadcast %add3A_160 : f32 to vector<16xf32>
    %add3A_162 = arith.addf %broadcast_in_dim3A_158, %add3A_161 : vector<16xf32>
    %mul3A_163 = arith.constant 2.000000e+00 : f32
    %mul3A_164 = vector.broadcast %mul3A_163 : f32 to vector<16xf32>
    %mul3A_165 = arith.mulf %mul3A_164, %add3A_162 : vector<16xf32>
    %div3A = arith.divf %broadcast_in_dim3A_159, %mul3A_165 : vector<16xf32>
    %mul3A_166 = arith.mulf %broadcast_in_dim3A_158, %broadcast_in_dim3A_158 : vector<16xf32>
    %add3A_167 = arith.constant 9.99999974E-5 : f32
    %add3A_168 = vector.broadcast %add3A_167 : f32 to vector<16xf32>
    %add3A_169 = arith.addf %broadcast_in_dim3A_158, %add3A_168 : vector<16xf32>
    %div3A_170 = arith.divf %mul3A_166, %add3A_169 : vector<16xf32>
    %add3A_171 = arith.addf %broadcast_in_dim3A_158, %div3A_170 : vector<16xf32>
    %jit3A_172 = arith.constant 0.000000e+00 : f32
    %broadcast_in_dim3A_173 = vector.broadcast %jit3A_172 : f32 to vector<16xf32>
    %select_n3A_174 = arith.select %eq3A_156, %add3A_171, %broadcast_in_dim3A_173 : vector<16xf32>
    %broadcast_in_dim3A_175 = vector.broadcast %reduce_sum3A_154 : f32 to vector<16xf32>
    %mul3A_176 = arith.constant 2.000000e+00 : f32
    %mul3A_177 = vector.broadcast %mul3A_176 : f32 to vector<16xf32>
    %mul3A_178 = arith.mulf %mul3A_177, %broadcast_in_dim3A_175 : vector<16xf32>
    %sub3A_179 = arith.subf %mul3A_178, %select_n3A_174 : vector<16xf32>
    %sub3A_180 = arith.constant 1.000000e+00 : f32
    %sub3A_181 = vector.broadcast %sub3A_180 : f32 to vector<16xf32>
    %sub3A_182 = arith.subf %broadcast_in_dim3A_158, %sub3A_181 : vector<16xf32>
    %mul3A_183 = arith.mulf %sub3A_182, %broadcast_in_dim3A_158 : vector<16xf32>
    %add3A_184 = arith.constant 9.99999974E-5 : f32
    %add3A_185 = vector.broadcast %add3A_184 : f32 to vector<16xf32>
    %add3A_186 = arith.addf %mul3A_183, %add3A_185 : vector<16xf32>
    %div3A_187 = arith.divf %sub3A_179, %add3A_186 : vector<16xf32>
    %iota3A_188 = tpu.iota {dimensions = array<i32: 0>} : vector<16xi32>
    %eq3A_189 = arith.constant 0 : i32
    %eq3A_190 = vector.broadcast %eq3A_189 : i32 to vector<16xi32>
    %eq3A_191 = arith.cmpi eq, %iota3A_188, %eq3A_190 : vector<16xi32>
    %eq3A_192 = arith.constant 1 : i32
    %eq3A_193 = vector.broadcast %eq3A_192 : i32 to vector<16xi32>
    %eq3A_194 = arith.cmpi eq, %iota3A_188, %eq3A_193 : vector<16xi32>
    %jit3A_195 = arith.constant 0.000000e+00 : f32
    %broadcast_in_dim3A_196 = vector.broadcast %jit3A_195 : f32 to vector<16xf32>
    %select_n3A_197 = arith.select %eq3A_194, %div3A_187, %broadcast_in_dim3A_196 : vector<16xi1>, vector<16xf32>
    %select_n3A_198 = arith.select %eq3A_191, %div3A, %select_n3A_197 : vector<16xi1>, vector<16xf32>
    %swap3A = arith.constant 0 : index
    %swap3A_199 = tpu.vector_load %arg14[%swap3A] {strides = array<i32>} : memref<16xf32, #tpu.memory_space<vmem>>, vector<16xf32>,
    tpu.vector_store %arg14[%swap3A], %select_n3A_198 {strides = array<i32>} : memref<16xf32, #tpu.memory_space<vmem>>, vector<16xf32>,
    %mul3A_200 = arith.constant 16 : i32
    %mul3A_201 = arith.muli %arg0, %mul3A_200 : i32
    %add3A_202 = arith.addi %mul3A_201, %arg1 : i32
    "tpu.region"() ({
      %run_scoped3A = tpu.sem_alloc : memref<!tpu.dma_semaphore, #tpu.memory_space<semaphore_mem>>
      %dma_start3A_203 = arith.constant 0 : i32
      %dma_start3A_204 = tpu.memref_slice %arg5[%add3A_202, %dma_start3A_203] : memref<32x16xf32, #tpu.memory_space<hbm>> -> memref<1x16xf32, #tpu.memory_space<hbm>>
      %dma_start3A_205 = tpu.memref_squeeze %dma_start3A_204 : memref<1x16xf32, #tpu.memory_space<hbm>> -> memref<16xf32, #tpu.memory_space<hbm>>
      %dma_start3A_206 = arith.constant 0 : i32
      %dma_start3A_207 = tpu.memref_slice %arg5[%add3A_202, %dma_start3A_206] : memref<32x16xf32, #tpu.memory_space<hbm>> -> memref<1x16xf32, #tpu.memory_space<hbm>>
      %dma_start3A_208 = tpu.memref_squeeze %dma_start3A_207 : memref<1x16xf32, #tpu.memory_space<hbm>> -> memref<16xf32, #tpu.memory_space<hbm>>
      tpu.enqueue_dma source(%arg14 : memref<16xf32, #tpu.memory_space<vmem>>) target(%dma_start3A_208 : memref<16xf32, #tpu.memory_space<hbm>>) target_semaphore(%run_scoped3A : memref<!tpu.dma_semaphore, #tpu.memory_space<semaphore_mem>>)
      %dma_wait3A_209 = arith.constant 0 : i32
      %dma_wait3A_210 = tpu.memref_slice %arg5[%add3A_202, %dma_wait3A_209] : memref<32x16xf32, #tpu.memory_space<hbm>> -> memref<1x16xf32, #tpu.memory_space<hbm>>
      %dma_wait3A_211 = tpu.memref_squeeze %dma_wait3A_210 : memref<1x16xf32, #tpu.memory_space<hbm>> -> memref<16xf32, #tpu.memory_space<hbm>>
      %dma_wait3A_212 = arith.constant 0 : i32
      %dma_wait3A_213 = tpu.memref_slice %arg5[%add3A_202, %dma_wait3A_212] : memref<32x16xf32, #tpu.memory_space<hbm>> -> memref<1x16xf32, #tpu.memory_space<hbm>>
      %dma_wait3A_214 = tpu.memref_squeeze %dma_wait3A_213 : memref<1x16xf32, #tpu.memory_space<hbm>> -> memref<16xf32, #tpu.memory_space<hbm>>
      tpu.wait_dma2 semaphore(%run_scoped3A : memref<!tpu.dma_semaphore, #tpu.memory_space<semaphore_mem>>) src(%arg14 : memref<16xf32, #tpu.memory_space<vmem>>) dst(%dma_wait3A_214 : memref<16xf32, #tpu.memory_space<hbm>>)
      tpu.yield
    }) : () -> ()
    return
  }
}

</mosaic_0001>

<sc_bundles>
// kernel: kernel.3.cloned.1.call-start
scs
__scs_entry_jumppad:
0x0: {  	(pc) =	sbr.rel $0x88, $3  }
0x1: {  	(tag) =	ssettag $0x0;
	lr =	simm.s32 $0x1  }
0x2: {  	[smem:$0x3F9C] =	sst lr;
	_ =	strace $0xD0000000  }
0x3: {  	_ = 	snop  }
0x4: {  	_ = 	snop  }
0x5: {  	_ = 	snop  }
0x6: {  	_ = 	snop  }
0x7: {  	_ = 	snop  }
__scs_overlays_trampoline_lowered:
0x8: {  	[smem:$0x3FAB] =	sst s0  }
0x9: {  	[smem:$0x3FAC] =	sst s1  }
0xa: {  	[smem:$0x3FAD] =	sst s2  }
0xb: {  	[smem:$0x3FAE] =	sst s3  }
0xc: {  	[smem:$0x3FAF] =	sst s4  }
0xd: {  	[smem:$0x3FB0] =	sst s5  }
0xe: {  	[smem:$0x3FB1] =	sst s6  }
0xf: {  	[smem:$0x3FB2] =	sst s7  }
0x10: {  	[smem:$0x3FB3] =	sst s8  }
0x11: {  	[smem:$0x3FB4] =	sst s9;
	s0 =	simm.s32 @!p0 $0x0  }
0x12: {  	s1 =	sld [smem:$0x3F9A];
	s0 =	simm.s32 @p0 $0x1  }
0x13: {  	[smem:$0x3FB5] =	sst s0;
	s0 =	simm.s32 @!p1 $0x0  }
0x14: {  	s2 =	sld [smem:$0x3F99];
	s0 =	simm.s32 @p1 $0x1  }
0x15: {  	[smem:$0x3FB6] =	sst s0;
	s0 =	simm.s32 @!p2 $0x0  }
0x16: {  	s3 =	sld [smem:$0x3FDB];
	s0 =	simm.s32 @p2 $0x1  }
0x17: {  	s4 =	simm.s32 $0x1BF5;
	[smem:$0x3FB8] =	sst s0  }
0x18: {  	s0 =	sld [smem:$0x3F9B];
	_ =	swait.ge [sflag:s4], $0x0  }
0x19: {  	s7 =	sld [smem:$0x3F9C]  }
0x1a: {  	s8 =	sadd.s32 $0xFFFFE003, lr  }
0x1b: {  	s9 =	sadd.s32 $0xFFFFFEF7, lr;
	s5 =	simm.s32 $0xFFFFFFFF;
	p2 =	slt.u32 s8, $0xFFFFF086  }
0x1c: {  	p1 =	slt.u32 s9, $0xF7A;
	s5 =	simm.s32 @!p2 $0x0  }
0x1d: {  	s5 =	simm.s32 @p1 $0x1;
	p0 =	seq.s32 s7, s2  }
0x1e: {  	s7 =	smul.u32 @!p0 $0xF7A, s2;
	p2 =	seq.s32 @!p0 s5, $0x0  }
0x1f: {  	s9 =	smul.u32 $0xF7A, s1;
	s8 =	simm.s32 @!p0 $0x1BF5;
	p2 =	por !p2, p0  }
0x20: {  	[sflag:s8] =	ssyncset.s32 @!p0 $0xFFFFF086;
	s6 =	sadd.s32 @!p0 s3, s7;
	s7 =	simm.s32 @!p0 $0x108  }
0x21: {  	s3 =	sadd.s32 s3, s9;
	s6 =	sadd.s32 @!p0 $0x88, s6;
	s7 =	simm.s32 @p2 $0x1082  }
0x22: {  	[simem:s7], [sflag:s8] =	dma.local @!p0 [hbm:s6], $0xF7A  }
0x23: {  	s9 =	sor.u32 $0xD0000000, s2;
	s6 =	simm.s32 $0x108;
	_ =	swait.ge @!p0 [sflag:s8], $0x0  }
0x24: {  	s3 =	sadd.s32 $0x88, s3;
	s6 =	simm.s32 @!p1 $0x1082;
	[sflag:s4] =	ssyncset.s32 $0xFFFFF086  }
0x25: {  	[simem:s6], [sflag:s4] =	dma.local [hbm:s3], $0xF7A  }
0x26: {  	[smem:$0x3F9C] =	sst s1;
	(tag) =	ssettag s2;
	_ =	strace s9  }
0x27: {  	s1 =	sld [smem:$0x3FAC]  }
0x28: {  	s2 =	sld [smem:$0x3FAD]  }
0x29: {  	s4 =	sld [smem:$0x3FAF]  }
0x2a: {  	p0 =	seq.s32 s5, $0x0;
	s5 =	sld [smem:$0x3FB0]  }
0x2b: {  	s6 =	sld [smem:$0x3FB1]  }
0x2c: {  	s7 =	sld [smem:$0x3FB2]  }
0x2d: {  	s3 =	simm.s32 $0x108;
	s8 =	sld [smem:$0x3FB3]  }
0x2e: {  	s3 =	simm.s32 @!p0 $0x1082;
	s9 =	sld [smem:$0x3FB4]  }
0x2f: {  	lr =	sadd.s32 s0, s3;
	s0 =	sld [smem:$0x3FAB]  }
0x30: {  	s3 =	sld [smem:$0x3FAE]  }
0x31: {  	[smem:$0x3FB7] =	sst s10  }
0x32: {  	s10 =	sld [smem:$0x3FB5];
	_ =	sdelay $0x3  }
0x33: {  	p0 =	seq.s32 s10, $0x1;
	s10 =	sld [smem:$0x3FB7];
	_ =	sdelay $0x3  }
0x34: {  	[smem:$0x3FB7] =	sst s10  }
0x35: {  	s10 =	sld [smem:$0x3FB6];
	_ =	sdelay $0x3  }
0x36: {  	p1 =	seq.s32 s10, $0x1;
	s10 =	sld [smem:$0x3FB7];
	_ =	sdelay $0x3  }
0x37: {  	[smem:$0x3FB7] =	sst s10  }
0x38: {  	s10 =	sld [smem:$0x3FB8]  }
0x39: {  	_ = 	snop;
	(pc) =	sbr.ind lr, $3  }
0x3a: {  	_ = 	snop  }
0x3b: {  	_ = 	snop  }
0x3c: {  	p2 =	seq.s32 s10, $0x1;
	s10 =	sld [smem:$0x3FB7]  }
0x3d: {  	_ =	shalt  }
0x3e: {  	_ =	shalt  }
0x3f: {  	_ =	shalt  }
0x40: {  	_ =	shalt  }
0x41: {  	_ =	shalt  }
0x42: {  	_ =	shalt  }
0x43: {  	_ =	shalt  }
0x44: {  	_ =	shalt  }
0x45: {  	_ =	shalt  }
0x46: {  	_ =	shalt  }
0x47: {  	_ =	shalt  }
0x48: {  	_ =	shalt  }
0x49: {  	_ =	shalt  }
0x4a: {  	_ =	shalt  }
0x4b: {  	_ =	shalt  }
0x4c: {  	_ =	shalt  }
0x4d: {  	_ =	shalt  }
0x4e: {  	_ =	shalt  }
0x4f: {  	_ =	shalt  }
0x50: {  	_ =	shalt  }
0x51: {  	_ =	shalt  }
0x52: {  	_ =	shalt  }
0x53: {  	_ =	shalt  }
0x54: {  	_ =	shalt  }
0x55: {  	_ =	shalt  }
0x56: {  	_ =	shalt  }
0x57: {  	_ =	shalt  }
0x58: {  	_ =	shalt  }
0x59: {  	_ =	shalt  }
0x5a: {  	_ =	shalt  }
0x5b: {  	_ =	shalt  }
0x5c: {  	_ =	shalt  }
0x5d: {  	_ =	shalt  }
0x5e: {  	_ =	shalt  }
0x5f: {  	_ =	shalt  }
0x60: {  	_ =	shalt  }
0x61: {  	_ =	shalt  }
0x62: {  	_ =	shalt  }
0x63: {  	_ =	shalt  }
0x64: {  	_ =	shalt  }
0x65: {  	_ =	shalt  }
0x66: {  	_ =	shalt  }
0x67: {  	_ =	shalt  }
0x68: {  	_ =	shalt  }
0x69: {  	_ =	shalt  }
0x6a: {  	_ =	shalt  }
0x6b: {  	_ =	shalt  }
0x6c: {  	_ =	shalt  }
0x6d: {  	_ =	shalt  }
0x6e: {  	_ =	shalt  }
0x6f: {  	_ =	shalt  }
0x70: {  	_ =	shalt  }
0x71: {  	_ =	shalt  }
0x72: {  	_ =	shalt  }
0x73: {  	_ =	shalt  }
0x74: {  	_ =	shalt  }
0x75: {  	_ =	shalt  }
0x76: {  	_ =	shalt  }
0x77: {  	_ =	shalt  }
0x78: {  	_ =	shalt  }
0x79: {  	_ =	shalt  }
0x7a: {  	_ =	shalt  }
0x7b: {  	_ =	shalt  }
0x7c: {  	_ =	shalt  }
0x7d: {  	_ =	shalt  }
0x7e: {  	_ =	shalt  }
0x7f: {  	_ =	shalt  }
0x80: {  	_ =	shalt  }
0x81: {  	_ =	shalt  }
0x82: {  	_ =	shalt  }
0x83: {  	_ =	shalt  }
0x84: {  	_ =	shalt  }
0x85: {  	_ =	shalt  }
0x86: {  	_ =	shalt  }
0x87: {  	_ =	shalt  }
.Lfunc_end0:
.L_simem_size_0:
called_computation_lowered:
.L_overlay_start_0:
0x88: {  	s2 =	sld [smem:$0x3FD9]  }
0x89: {  	s3 =	sld [smem:$0x3FFE];
	_ =	sdelay $0x1  }
0x8a: {  	s1 =	srdreg.scid  }
0x8b: {  	s0 =	sand.u32 $0x1, s1  }
0x8c: {  	s17 =	sshll.u32 s0, $0xA;
	s2 =	sadd.s32 s3, s2  }
0x8d: {  	s2 =	sadd.s32 s2, s17  }
0x8e: {  	[smem:$0x3FC3] =	sst s2  }
0x8f: {  	_ = 	snop  }
0x90: {  	s2 =	sld [smem:$0x3FC9]  }
0x91: {  	s18 =	sld [smem:$0x3FC8];
	(tm) =	ssettm $0x1  }
0x92: {  	s4 =	sld [smem:$0x3FFB];
	_ =	sdelay $0x3  }
0x93: {  	_ =	strace s4  }
0x94: {  	s4 =	sld [smem:$0x3FFC];
	_ =	sdelay $0x3  }
0x95: {  	_ =	strace s4  }
0x96: {  	s4 =	sld [smem:$0x3FFD];
	_ =	sdelay $0x3  }
0x97: {  	_ =	strace s4  }
0x98: {  	_ =	strace $0x8FFFFFFF  }
0x99: {  	s19 =	sld [smem:$0x3FDB];
	_ =	sdelay $0x1  }
0x9a: {  	s5 =	simm.s32 $_scs_section_size  }
0x9b: {  	s6 =	simm.s32 $_size__tile_overlayer_lowered;
	s7 =	simm.s32 $_tile_overlayer_lowered  }
0x9c: {  	s22 =	simm.s32 $0x1BFF;
	s21 =	sshll.u32 s7, $0x1;
	s4 =	sadd.s32 s5, s19  }
0x9d: {  	s8 =	simm.s32 $0x0;
	s20 =	sshll.u32 s6, $0x1;
	s6 =	sadd.s32 s21, s4  }
0x9e: {  	[timem:s8], [sflag:s22] =	dma.local [hbm:s6], s20  }
0x9f: {  	_ =	swait.ge [sflag:s22], s20  }
0xa0: {  	s5 =	ssub.s32 $0x0, s20;
	[sflag:s22] =	ssyncset.done $0x0  }
0xa1: {  	[sflag:s22] =	ssyncadd.s32 s5;
	_ =	sdelay $0x1  }
0xa2: {  	s23 =	simm.s32 $0x1B8B  }
0xa3: {  	_ =	swait.ge [sflag:s23], $0x1  }
0xa4: {  	[sflag:s23] =	ssyncset.done $0x0  }
0xa5: {  	s25 =	simm.s32 $0x1B8E;
	s24 =	sld [smem:$0x3FFE];
	[sflag:s23] =	ssyncadd.s32 $0xFFFFFFFF  }
0xa6: {  	s26 =	simm.s32 $execute0_lowered;
	[smem:$0x3FD2] =	sst s25  }
0xa7: {  	s6 =	sshll.u32 s26, $0x1;
	_ =	strace $0x80000046;
	[dreg:$0x1] =	wrdreg $0xFFFFFFFF  }
0xa8: {  	s28 =	simm.s32 $_size_execute0_lowered;
	s4 =	sadd.s32 s4, s6;
	[dreg:$0x0] =	wrdreg $0x0  }
0xa9: {  	s6 =	sshll.u32 s28, $0x1;
	[dreg:$0x2] =	wrdreg s4  }
0xaa: {  	[dreg:$0x3] =	wrdreg s6  }
0xab: {  	[dreg:$0x4] =	wrdreg $0xC0  }
0xac: {  	_ =	task [dreg:s8], $0x5FFFF  }
0xad: {  	[dreg:$0x1] =	wrdreg $0xFFFFFFFF  }
0xae: {  	[dreg:$0x0] =	wrdreg $0x60  }
0xaf: {  	[dreg:$0x2] =	wrdreg s2  }
0xb0: {  	[dreg:$0x3] =	wrdreg s18  }
0xb1: {  	[dreg:$0x4] =	wrdreg s24  }
0xb2: {  	[dreg:$0x5] =	wrdreg $0x4F000  }
0xb3: {  	[dreg:$0x6] =	wrdreg $0x9  }
0xb4: {  	_ =	task.clear_ibuf [dreg:s8], $0x7FFFF;
	_ =	strace $0x90000046  }
0xb5: {  	s29 =	simm.s32 $0x9;
	_ =	strace $0x80000048  }
0xb6: {  	_ =	swait.ge [sflag:s29], $0x1  }
0xb7: {  	[sflag:s29] =	ssyncadd.s32 $0xFFFFFFFF  }
0xb8: {  	_ =	strace $0x90000048  }
0xb9: {  	_ =	sfence  }
0xba: {  	s30 =	sld [smem:$0x0];
	_ =	sdelay $0x2  }
0xbb: {  	s31 =	sshll.u32 s1, $0xD;
	s1 =	sshrl.u32 s1, $0x2  }
0xbc: {  	s3 =	sand.u32 $0x4000, s31;
	s1 =	sadd.s32 s1, s30  }
0xbd: {  	s0 =	sor.u32 s3, s0;
	s1 =	sshll.u32 s1, $0x11  }
0xbe: {  	s0 =	sor.u32 s1, s0  }
0xbf: {  	s0 =	sadd.s32 $0x8F2B, s0  }
0xc0: {  	[sflag:s0] =	ssyncadd.remote.s32 $0x1  }
0xc1: {  	_ =	sfence.sel $0xFFFF  }
0xc2: {  	[dreg:$0x0] =	wrdreg $0xFFFFFFFF;
	(pc) =	sbr.abs _section_cstart, $3  }
0xc3: {  	[dreg:$0x1] =	wrdreg $0xFFFFFFFF  }
0xc4: {  	_ =	task.clear_ibuf [dreg:s8], $0x2FFFF;
	_ =	strace $0x9FFFFFFF  }
0xc5: {  	(tm) =	ssettm $0x7FFFFFFF  }
tec
execute0_lowered:
.L_overlay_start_1:
0x0: {  	(tag) =	ssettag $0x1  }
0x1: {  	s0 =	rddreg [dreg:$0x0]  }
0x2: {  	s1 =	rddreg [dreg:$0x1]  }
0x3: {  	s11 =	rddreg [dreg:$0x2]  }
0x4: {  	s7 =	rddreg [dreg:$0x3];
	s2 =	srdreg.scid  }
0x5: {  	s18 =	stileid.u32;
	s3 =	sand.u32 $0x1, s2;
	s2 =	simm.s32 $0x0  }
0x6: {  	s5 =	sshrl.u32 s18, $0x1;
	s6 =	sshll.u32 s18, $0x7;
	s21 =	sshll.u32 s18, $0x9  }
0x7: {  	s4 =	sshll.u32 s3, $0x3;
	[smem:$0x7FF] =	sst s2;
	s17 =	sshll.u32 s3, $0xB  }
0x8: {  	s8 =	sand.u32 $0x400, s6;
	s6 =	sand.u32 $0x380, s6;
	s3 =	ssub.s32 $0x2, s3  }
0x9: {  	s5 =	sor.u32 s5, s4;
	_ =	strace $0x80000047;
	s4 =	sor.u32 s17, s8  }
0xa: {  	s10 =	sshrl.u32 s3, $0x1;
	s9 =	smul.u32 $0x1F4, s5;
	s4 =	sor.u32 s6, s4  }
0xb: {  	s10 =	ssub.s32 s3, s10;
	s3 =	sand.u32 $0x1, s18;
	s15 =	sshll.u32 s5, $0xB  }
0xc: {  	s5 =	sand.u32 $0x1000, s21;
	s21 =	simm.s32 $0x80;
	s4 =	sshrl.u32 s4, $0x3  }
0xd: {  	s22 =	sadd.s32 s5, s7;
	s23 =	sor.u32 s5, s6;
	s5 =	simm.s32 $0x1  }
0xe: {  	s8 =	sxor.u32 $0x1, s3;
	s29 =	sshll.u32 s3, $0x4;
	s10 =	smax.u32 s10, $0x1  }
0xf: {  	s19 =	sand.u32 $0x1FF8, s9;
	s13 =	sadd.s32 s4, s11;
	s24 =	sadd.s32 s6, s22  }
0x10: {  	s25 =	sxor.u32 $0x80, s23;
	s26 =	sshll.u32 s5, s18;
	s30 =	sadd.s32 $0x10, s29  }
0x11: {  	s22 =	simm.s32 $0x400;
	s23 =	simm.s32 $0x3;
	s12 =	smin.u32 s19, $0x1D40  }
0x12: {  	[dreg:$0x6] =	wrdreg s24;
	s28 =	sadd.s32 s25, s7;
	s18 =	sand.u32 $0x5555, s26  }
0x13: {  	[dreg:$0x8] =	wrdreg s30;
	s19 =	simm.s32 $0x2;
	s24 =	simm.s32 $0x4A00  }
0x14: {  	s26 =	simm.s32 $0x0;
	s20 =	sshrl.u32 s12, $0x3;
	s14 =	ssub.s32 s9, s12  }
0x15: {  	v1 =	vlaneseq.u32;
	vm1 =	vcmask $0x3F08;
	vm2 =	vcmask $0x3F0C;
	s16 =	sadd.s32 $0x1F40, s12;
	[dreg:$0x7] =	wrdreg s28;
	s9 =	sadd.s32 $0xC00, s13  }
0x16: {  	vm3 =	vcmask $0x3F10;
	vm4 =	vcmask $0x3F14;
	vm5 =	vcmask $0x3F18;
	p0 =	sne.s32 s18, $0x0;
	s18 =	simm.s32 $0x4400;
	s4 =	sadd.s32 s11, s20  }
.Ltmp0:
0x17: {  	vm6 =	vcmask $0x3F1C;
	vm7 =	vcmask $0x3F20;
	vm8 =	vcmask $0x3F24;
	s17 =	sadd.s32 $0x1F3, s14;
	s16 =	smov.u32 @p0 s12;
	(pc) =	sbr.rel .LBB2_1-.Ltmp0, $4  }
0x18: {  	vm9 =	vcmask $0x3F28;
	vm10 =	vcmask $0x3F2C;
	vm11 =	vcmask $0x3F30;
	s12 =	simm.s32 $0x4200;
	s1 =	smov.u32 @p0 s0;
	s20 =	simm.s32 $0x4800  }
0x19: {  	vm12 =	vcmask $0x3F34;
	vm0 =	vmmov $0x1;
	v4 =	vimm.s32 $0x0;
	p0 =	seq.s32 s3, $0x0;
	s4 =	sadd.s32 $0x7D0, s4;
	s31 =	sshrl.u32 s16, $0x3  }
0x1a: {  	vm13 =	vcmask $0x3F38;
	v4 =	vsel vm0, $0xFFFFFFFF, v4;
	v0 =	vmov s14;
	s14 =	sadd.s32 s1, s15;
	s15 =	simm.s32 $0x4000;
	s16 =	simm.s32 $0x4C00  }
0x1b: {  	vm14 =	vcmask $0x3F3C;
	v3 =	vor.u32 $0x200, v1;
	[tilespmem:$0x1FFF0] =	vst v4;
	v2 =	vmov s17;
	s17 =	simm.s32 $0x4600;
	[dreg:$0x5] =	wrdreg s4;
	s13 =	sadd.s32 s11, s31  }
.LBB2_15:
0x1c: {  	v4 =	vadd.f32 v13, v26;
	_ =	sdelay $0x1  }
0x1d: {  	v4 =	vadd.f32 v19, v4;
	_ =	sdelay $0x1  }
0x1e: {  	v4 =	vadd.f32 v16, v4  }
.LBB2_16:
0x1f: {  	s0 =	scvt.s32.f32 s28;
	_ =	sdelay $0x1  }
0x20: {  	v5 =	vmov s0  }
0x21: {  	v6 =	vadd.f32 $9.999999740e-05, v5;
	_ =	sdelay $0x1  }
0x22: {  	v7 =	vadd.f32 v6, v6;
	_ =	sdelay $0x1  }
0x23: {  	(erf) = vrcp.f32 v7  }
0x24: {  	(xrf2) =	vadd.scan.msk.f32 $0xffff, v4;
	v4 =	vadd.f32 $-1.000000000e+00, v5;
	(erf) = vrcp.f32 v6;
	_ =	sdelay $0x1  }
0x25: {  	v4 =	vmul.f32 s0, v4;
	_ =	sdelay $0x1  }
0x26: {  	v4 =	vadd.f32 $9.999999740e-05, v4;
	_ =	sdelay $0x2  }
0x27: {  	(erf) = vrcp.f32 v4  }
0x28: {  	s1 =	smul.f32 s0, s0;
	v4 =	vpop (erf)  }
0x29: {  	v5 =	vpop (erf)  }
0x2a: {  	v61, _, _ =	vpop (xrf2);
	v5 =	vmul.f32 s1, v5  }
0x2b: {  	v6 =	vadd.f32 v61, v61  }
0x2c: {  	v5 =	vadd.f32 s0, v5  }
0x2d: {  	v6 =	vbroadcast v6, $0xF  }
0x2e: {  	v63 =	vld [tilespmem:$0x1FFF0];
	v5 =	vpsel !p0, $0x0, v5  }
0x2f: {  	v5 =	vsub.f32 v6, v5  }
0x30: {  	v62 =	vpop (erf)  }
0x31: {  	s29 =	simm.s32 @!p0 $0x0;
	v5 =	vmul.f32 v5, v62  }
0x32: {  	v4 =	vmul.f32 s29, v4  }
0x33: {  	s26 =	sadd.s32 $0x1, s26;
	vm0 =	vnez.u8 v63;
	v5 =	vsel vm1, $0x0, v5  }
0x34: {  	p1 =	sne.s32 s26, s10;
	v4 =	vsel vm0, v4, v5  }
.Ltmp1:
0x35: {  	s31 =	simm.s32 $0x4E80;
	[tilespmem:$0x4E80] =	vst v4;
	(pc) =	sbr.rel @!p1 .LBB2_17-.Ltmp1, $4  }
0x36: {  	[hbm4b:s9+s2] =	stream.linear.scatter [tilespmem:s31], [sflag:$0x3], $0x80, $0x38;
	[tilespmem:$0x5100] =	vst v63  }
0x37: {  	_ =	swait.ge [sflag:s23], $0x80  }
0x38: {  	[sflag:s23] =	ssyncset.done $0x0  }
0x39: {  	[sflag:s23] =	ssyncadd.s32 $0xFFFFFF80  }
.LBB2_1:
0x3a: {  	s0 =	rddreg [dreg:$0x5]  }
0x3b: {  	[tilespmem:s12], [sflag:$0x1] =	stream.linear.gather [hbm4b:s0+s2], $0x200, $0x38;
	[tilespmem:$0x5100] =	vst v63  }
0x3c: {  	s0 =	simm.s32 $0x0  }
0x3d: {  	[tilespmem:s0], [sflag:$0x2] =	stream.linear.gather [hbm4b:s14+s0], $0x4000, $0x38;
	[tilespmem:$0x5100] =	vst v63  }
0x3e: {  	_ = 	snop  }
0x3f: {  	v5 =	vor.u32 s0, v1;
	[tilespmem:s15], [sflag:$0x1] =	stream.linear.gather [hbm4b:s13+s0], $0x200, $0x38;
	[tilespmem:$0x5100] =	vst v63  }
0x40: {  	v4 =	vcvt.s32.f32 v5;
	v6 =	vadd.s32 v0, v5;
	_ =	swait.ge [sflag:s5], $0x200  }
0x41: {  	vm15 =	vlt.s32 v6, v2;
	[sflag:s5] =	ssyncset.done $0x0  }
0x42: {  	v4 =	vadd.f32 v4, v4;
	v6 =	vsel vm15, v6, v2;
	[sflag:s5] =	ssyncadd.s32 $0xFFFFFE00  }
0x43: {  	_ =	swait.ge [sflag:s5], $0x200  }
0x44: {  	v4 =	vadd.f32 $2.000000000e+06, v4;
	[sflag:s5] =	ssyncset.done $0x0  }
0x45: {  	[sflag:s5] =	ssyncadd.s32 $0xFFFFFE00  }
0x46: {  	[tilespmem:v5+s16+$0x0] =	vst.idx.msk $0xffff, v4  }
0x47: {  	v4 =	vld.idx.msk [tilespmem:v6+s12+$0x0], $0xffff;
	_ =	sdelay $0x4  }
0x48: {  	vm0 =	vlt.u32 v5, $0x1F4;
	vm15 =	vgt.s32 v4, $0x0  }
0x49: {  	vm0 =	vmand vm0, vm15  }
0x4a: {  	v6 =	vnsel vm0, $0x0, v4  }
0x4b: {  	(xrf0) =	vadd.scan.msk.s32 $0xffff, v6;
	_ =	sdelay $0x4  }
0x4c: {  	s1 =	simm.s32 $0x10;
	v7 =	vmov s0  }
0x4d: {  	v7 =	vadd.s32 $0xFFFFFFFF, v7;
	v4 =	vor.u32 s1, v1;
	v8, _, _ =	vpop (xrf0)  }
0x4e: {  	v9 =	vcvt.s32.f32 v4;
	v10 =	vadd.s32 v0, v4;
	(v2sf) =	vpush v8, $0xF  }
0x4f: {  	v7 =	vbroadcast v7, $0x0;
	vm15 =	vlt.s32 v10, v2  }
0x50: {  	v6 =	vcvt.s32.f32 v6;
	v9 =	vadd.f32 v9, v9;
	v10 =	vsel vm15, v10, v2  }
0x51: {  	v7 =	vadd.s32 v8, v7  }
0x52: {  	[tilespmem:v5+s17+$0x0] =	vst.idx.msk $0xffff, v6;
	v8 =	vadd.f32 $2.000000000e+06, v9;
	v6 =	vsel vm0, v7, v3  }
0x53: {  	[tilespmem:v5+s18+$0x0] =	vst.idx.msk $0xffff, v6  }
0x54: {  	[tilespmem:v4+s16+$0x0] =	vst.idx.msk $0xffff, v8  }
0x55: {  	v5 =	vld.idx.msk [tilespmem:v10+s12+$0x0], $0xffff;
	_ =	sdelay $0x4  }
0x56: {  	vm15 =	vlt.u32 v4, $0x1F4;
	vm0 =	vgt.s32 v5, $0x0  }
0x57: {  	vm15 =	vmand vm15, vm0  }
0x58: {  	v5 =	vnsel vm15, $0x0, v5  }
0x59: {  	s1 =	simm.s32 $0x20;
	v6 =	vcvt.s32.f32 v5;
	(xrf0) =	vadd.scan.msk.s32 $0xffff, v5;
	s11 =	spop (v2sf)  }
.LBB2_2:
0x5a: {  	p1 =	sne.s32 s1, $0x1F0  }
0x5b: {  	s0 =	sadd.s32 s0, s11;
	s11 =	smov.u32 s1;
	s1 =	sadd.s32 $0x10, s1  }
0x5c: {  	v5 =	vmov s0  }
0x5d: {  	v7 =	vor.u32 s11, v1;
	v5 =	vadd.s32 $0xFFFFFFFF, v5  }
0x5e: {  	v8 =	vcvt.s32.f32 v7;
	v9 =	vadd.s32 v0, v7;
	v5 =	vbroadcast v5, $0x0  }
0x5f: {  	vm0 =	vlt.s32 v9, v2;
	v10, _, _ =	vpop (xrf0)  }
0x60: {  	v8 =	vadd.f32 v8, v8;
	v9 =	vsel vm0, v9, v2;
	(v2sf) =	vpush v10, $0xF  }
0x61: {  	v5 =	vadd.s32 v10, v5  }
0x62: {  	v8 =	vadd.f32 $2.000000000e+06, v8;
	v5 =	vsel vm15, v5, v3;
	[tilespmem:v4+s17+$0x0] =	vst.idx.msk $0xffff, v6  }
0x63: {  	[tilespmem:v4+s18+$0x0] =	vst.idx.msk $0xffff, v5;
	v4 =	vmov v7  }
0x64: {  	[tilespmem:v7+s16+$0x0] =	vst.idx.msk $0xffff, v8  }
0x65: {  	v5 =	vld.idx.msk [tilespmem:v9+s12+$0x0], $0xffff;
	_ =	sdelay $0x5  }
.Ltmp2:
0x66: {  	vm15 =	vlt.u32 v4, $0x1F4;
	vm0 =	vgt.s32 v5, $0x0;
	(pc) =	sbr.rel @p1 .LBB2_2-.Ltmp2, $4  }
0x67: {  	vm15 =	vmand vm15, vm0  }
0x68: {  	v5 =	vnsel vm15, $0x0, v5  }
0x69: {  	v6 =	vcvt.s32.f32 v5;
	(xrf0) =	vadd.scan.msk.s32 $0xffff, v5  }
0x6a: {  	s11 =	spop (v2sf)  }
0x6b: {  	_ =	sdelay $0x3  }
0x6c: {  	v7, _, _ =	vpop (xrf0)  }
0x6d: {  	(v2sf) =	vpush v7, $0xF;
	_ =	sdelay $0x7  }
0x6e: {  	s0 =	sadd.s32 s0, s11  }
0x6f: {  	v5 =	vmov s0  }
0x70: {  	s1 =	simm.s32 $0x0;
	v5 =	vadd.s32 $0xFFFFFFFF, v5  }
0x71: {  	v8 =	vbroadcast v5, $0x0;
	v5 =	vor.u32 s1, v1  }
0x72: {  	v9 =	vadd.s32 v0, v5  }
0x73: {  	v7 =	vadd.s32 v7, v8;
	vm0 =	vlt.s32 v9, v2  }
0x74: {  	[tilespmem:v4+s17+$0x0] =	vst.idx.msk $0xffff, v6;
	v7 =	vsel vm15, v7, v3;
	v6 =	vsel vm0, v9, v2  }
0x75: {  	[tilespmem:v4+s18+$0x0] =	vst.idx.msk $0xffff, v7;
	s30 =	spop (v2sf)  }
0x76: {  	_ =	swait.ge [sflag:s19], $0x4000  }
0x77: {  	[sflag:s19] =	ssyncset.done $0x0  }
0x78: {  	[sflag:s19] =	ssyncadd.s32 $0xFFFFC000  }
0x79: {  	v6 =	vld.idx.msk [tilespmem:v6+s15+$0x0], $0xffff;
	_ =	sdelay $0x5  }
0x7a: {  	s31 =	simm.s32 $0x10  }
0x7b: {  	v4 =	vor.u32 s31, v1;
	s28 =	sadd.s32 s0, s30;
	s0 =	simm.s32 $0x20  }
.LBB2_4:
0x7c: {  	p1 =	sne.s32 s0, $0x1F0;
	v7 =	vadd.s32 v0, v4;
	v6 =	vld.idx.msk [tilespmem:v6+s2+$0x0], $0xffff  }
0x7d: {  	vm0 =	vlt.s32 v7, v2  }
0x7e: {  	v7 =	vsel vm0, v7, v2;
	_ =	sdelay $0x3  }
0x7f: {  	[tilespmem:v5+s20+$0x0] =	vst.idx.msk $0xffff, v6;
	v5 =	vmov v4  }
0x80: {  	v6 =	vld.idx.msk [tilespmem:v7+s15+$0x0], $0xffff;
	_ =	sdelay $0x2  }
.Ltmp3:
0x81: {  	(pc) =	sbr.rel @p1 .LBB2_4-.Ltmp3, $2  }
0x82: {  	_ =	sdelay $0x2  }
0x83: {  	v4 =	vor.u32 s0, v1;
	s0 =	sadd.s32 $0x10, s0  }
0x84: {  	_ =	sdelay $0x2  }
0x85: {  	v7 =	vadd.s32 v0, v4  }
0x86: {  	v6 =	vld.idx.msk [tilespmem:v6+s2+$0x0], $0xffff;
	vm0 =	vlt.s32 v7, v2  }
0x87: {  	v7 =	vsel vm0, v7, v2;
	_ =	sdelay $0x3  }
0x88: {  	[tilespmem:v5+s20+$0x0] =	vst.idx.msk $0xffff, v6  }
0x89: {  	v5 =	vld.idx.msk [tilespmem:v7+s15+$0x0], $0xffff;
	_ =	sdelay $0x7  }
0x8a: {  	v5 =	vld.idx.msk [tilespmem:v5+s2+$0x0], $0xffff;
	_ =	sdelay $0x4  }
0x8b: {  	s0 =	rddreg [dreg:$0x6];
	[tilespmem:v4+s20+$0x0] =	vst.idx.msk $0xffff, v5  }
0x8c: {  	[spmem:s0] =	stream.strided.scatter [tilespmem:s20], [sflag:$0x3], $0x200, s22, s21, $0x38;
	[tilespmem:$0x5100] =	vst v63  }
0x8d: {  	_ =	swait.ge [sflag:s23], $0x200  }
0x8e: {  	[sflag:s23] =	ssyncset.done $0x0  }
0x8f: {  	[sflag:s23] =	ssyncadd.s32 $0xFFFFFE00  }
0x90: {  	s25 =	simm.s32 $0x0;
	[bflag:$0x0] =	sbarrier.arrive $0xFFFF  }
0x91: {  	v5 =	vor.u32 s25, v1;
	s29 =	rddreg [dreg:$0x7]  }
0x92: {  	[tilespmem:s24], [sflag:$0x3] =	stream.strided.gather [spmem:s29], $0x200, s22, s21, $0x38;
	[tilespmem:$0x5100] =	vst v63  }
0x93: {  	_ =	swait.ge [sflag:s23], $0x200  }
0x94: {  	[sflag:s23] =	ssyncset.done $0x0  }
0x95: {  	[sflag:s23] =	ssyncadd.s32 $0xFFFFFE00  }
0x96: {  	v6 =	vld.idx.msk [tilespmem:v5+s24+$0x0], $0xffff  }
0x97: {  	v7 =	vld.idx.msk [tilespmem:v5+s20+$0x0], $0xffff  }
0x98: {  	v8 =	vld.idx.msk [tilespmem:v5+s18+$0x0], $0xffff;
	_ =	sdelay $0x2  }
0x99: {  	s30 =	simm.s32 $0x10  }
0x9a: {  	v4 =	vor.u32 s30, v1;
	v9 =	vadd.f32 v6, v7;
	_ =	sdelay $0x1  }
0x9b: {  	v9 =	vmul.f32 $5.000000000e-01, v9;
	_ =	sdelay $0x1  }
0x9c: {  	[tilespmem:v8+s16+$0x0] =	vst.idx.msk $0xffff, v9  }
0x9d: {  	v8 =	vld.idx.msk [tilespmem:v4+s24+$0x0], $0xffff  }
0x9e: {  	v9 =	vld.idx.msk [tilespmem:v4+s20+$0x0], $0xffff  }
0x9f: {  	v11 =	vld.idx.msk [tilespmem:v5+s17+$0x0], $0xffff  }
0xa0: {  	v5 =	vsub.f32 v7, v6;
	v7 =	vld.idx.msk [tilespmem:v4+s18+$0x0], $0xffff;
	_ =	sdelay $0x2  }
0xa1: {  	s31 =	simm.s32 $0x20;
	v12 =	vmul.f32 v5, v5  }
0xa2: {  	v6 =	vor.u32 s31, v1;
	v10 =	vadd.f32 v8, v9;
	v8 =	vsub.f32 v9, v8  }
0xa3: {  	s0 =	simm.s32 $0x30;
	v5 =	vimm.f32 $0.0e+00;
	v9 =	vmul.f32 v11, v12  }
.LBB2_6:
0xa4: {  	p1 =	sne.s32 s0, $0x1F0;
	v10 =	vmul.f32 $5.000000000e-01, v10;
	v11 =	vmul.f32 v8, v8  }
0xa5: {  	v5 =	vadd.f32 v9, v5  }
0xa6: {  	[tilespmem:v7+s16+$0x0] =	vst.idx.msk $0xffff, v10  }
0xa7: {  	v8 =	vld.idx.msk [tilespmem:v6+s24+$0x0], $0xffff  }
0xa8: {  	v9 =	vld.idx.msk [tilespmem:v6+s20+$0x0], $0xffff  }
0xa9: {  	v12 =	vld.idx.msk [tilespmem:v4+s17+$0x0], $0xffff;
	v4 =	vmov v6  }
0xaa: {  	v7 =	vld.idx.msk [tilespmem:v6+s18+$0x0], $0xffff  }
.Ltmp4:
0xab: {  	(pc) =	sbr.rel @p1 .LBB2_6-.Ltmp4, $3  }
0xac: {  	_ =	sdelay $0x1  }
0xad: {  	v6 =	vor.u32 s0, v1;
	v10 =	vadd.f32 v8, v9;
	v8 =	vsub.f32 v9, v8  }
0xae: {  	s0 =	sadd.s32 $0x10, s0;
	v9 =	vmul.f32 v12, v11  }
0xaf: {  	_ =	sdelay $0x1  }
0xb0: {  	v10 =	vmul.f32 $5.000000000e-01, v10;
	_ =	sdelay $0x1  }
0xb1: {  	[tilespmem:v7+s16+$0x0] =	vst.idx.msk $0xffff, v10  }
0xb2: {  	v7 =	vld.idx.msk [tilespmem:v6+s24+$0x0], $0xffff  }
0xb3: {  	v10 =	vld.idx.msk [tilespmem:v6+s20+$0x0], $0xffff  }
0xb4: {  	v11 =	vld.idx.msk [tilespmem:v6+s18+$0x0], $0xffff;
	_ =	sdelay $0x3  }
0xb5: {  	v12 =	vadd.f32 v7, v10;
	_ =	sdelay $0x1  }
0xb6: {  	v12 =	vmul.f32 $5.000000000e-01, v12  }
0xb7: {  	v4 =	vld.idx.msk [tilespmem:v4+s17+$0x0], $0xffff  }
0xb8: {  	[tilespmem:v11+s16+$0x0] =	vst.idx.msk $0xffff, v12  }
0xb9: {  	v63 =	vld.idx.msk [tilespmem:v6+s17+$0x0], $0xffff  }
0xba: {  	v8 =	vmul.f32 v8, v8;
	v7 =	vsub.f32 v10, v7;
	_ =	sdelay $0x1  }
0xbb: {  	v5 =	vadd.f32 v9, v5;
	v4 =	vmul.f32 v4, v8;
	v7 =	vmul.f32 v7, v7;
	_ =	sdelay $0x1  }
0xbc: {  	v4 =	vadd.f32 v4, v5;
	v5 =	vmul.f32 v63, v7;
	_ =	sdelay $0x1  }
0xbd: {  	v4 =	vadd.f32 v5, v4;
	_ =	sdelay $0x1  }
0xbe: {  	(xrf2) =	vadd.scan.msk.f32 $0xffff, v4;
	_ =	sdelay $0x9  }
0xbf: {  	v4, _, _ =	vpop (xrf2)  }
0xc0: {  	(v2sf) =	vpush v4, $0xF;
	_ =	sdelay $0x5  }
0xc1: {  	s0 =	sadd.s32 $0xF, s28  }
0xc2: {  	s30 =	sshra.s32 s0, $0x4  }
0xc3: {  	s0 =	sadd.s32 s30, s8  }
0xc4: {  	s31 =	sshra.s32 s0, $0x1  }
0xc5: {  	p1 =	slt.s32 s31, $0x1  }
.Ltmp5:
0xc6: {  	_ = 	snop;
	(pc) =	sbr.rel @p1 .LBB2_8-.Ltmp5, $2  }
0xc7: {  	_ =	sdelay $0x2  }
0xc8: {  	s29 =	spop (v2sf)  }
.Ltmp6:
0xc9: {  	(pc) =	sbr.rel .LBB2_10-.Ltmp6, $3  }
0xca: {  	_ =	sdelay $0x1  }
0xcb: {  	v4 =	vmov s28;
	v16 =	vimm.f32 $0.0e+00  }
0xcc: {  	s0 =	simm.s32 $0x0;
	s1 =	rddreg [dreg:$0x8];
	v19 =	vimm.f32 $0.0e+00;
	v13 =	vimm.f32 $0.0e+00;
	v26 =	vimm.f32 $0.0e+00  }
.LBB2_13:
0xcd: {  	v6 =	vsub.f32 $1.000000000e+00, v34;
	v7 =	vsub.f32 $1.000000000e+00, v32  }
0xce: {  	v5 =	vand.u32 $0x7FFFFFFF, v36;
	v8 =	vsub.f32 v25, v8;
	v11 =	vsub.f32 v25, v12  }
0xcf: {  	v9 =	vand.u32 $0x7FFFFFFF, v31;
	v14 =	vsub.f32 $1.000000000e+00, v33;
	v10 =	vsub.f32 v25, v10  }
0xd0: {  	v12 =	vand.u32 $0x7FFFFFFF, v35;
	v17 =	vsub.f32 $1.000000000e+00, v29;
	v19 =	vadd.f32 v27, v19  }
0xd1: {  	v15 =	vand.u32 $0x7FFFFFFF, v30;
	v9 =	vsub.f32 $1.000000000e+00, v9;
	v12 =	vsub.f32 $1.000000000e+00, v12  }
0xd2: {  	v18 =	vand.u32 $0x7FFFFFFF, v28;
	v5 =	vsub.f32 $1.000000000e+00, v5;
	v15 =	vsub.f32 $1.000000000e+00, v15  }
0xd3: {  	v8 =	vand.u32 $0x7FFFFFFF, v8;
	v11 =	vand.u32 $0x7FFFFFFF, v11;
	v10 =	vand.u32 $0x7FFFFFFF, v10  }
0xd4: {  	v6 =	vmax.f32 v6, $0.0e+00;
	v9 =	vmax.f32 v9, $0.0e+00;
	v8 =	vsub.f32 $1.000000000e+00, v8  }
0xd5: {  	v10 =	vsub.f32 $1.000000000e+00, v10;
	v12 =	vmax.f32 v12, $0.0e+00;
	v5 =	vmax.f32 v5, $0.0e+00  }
0xd6: {  	v11 =	vsub.f32 $1.000000000e+00, v11;
	v5 =	vadd.f32 v5, v13;
	v13 =	vmax.f32 v15, $0.0e+00  }
0xd7: {  	v12 =	vadd.f32 v26, v12;
	v15 =	vand.u32 $0x7FFFFFFF, v24;
	v8 =	vmax.f32 v8, $0.0e+00  }
0xd8: {  	v10 =	vmax.f32 v10, $0.0e+00;
	v8 =	vadd.f32 v8, v16;
	v16 =	vsub.f32 $1.000000000e+00, v18  }
0xd9: {  	v11 =	vmax.f32 v11, $0.0e+00;
	v10 =	vadd.f32 v19, v10;
	v5 =	vadd.f32 v5, v13  }
0xda: {  	v13 =	vmax.f32 v14, $0.0e+00;
	v14 =	vsub.f32 $1.000000000e+00, v15;
	v8 =	vadd.f32 v8, v11  }
0xdb: {  	v26 =	vadd.f32 v12, v6;
	v5 =	vadd.f32 v5, v9;
	v61 =	vmax.f32 v16, $0.0e+00  }
0xdc: {  	v7 =	vmax.f32 v7, $0.0e+00;
	v10 =	vadd.f32 v10, v13;
	v6 =	vadd.f32 v8, v61  }
0xdd: {  	v63 =	vmax.f32 v17, $0.0e+00;
	v62 =	vmax.f32 v14, $0.0e+00;
	v13 =	vadd.f32 v5, v7  }
0xde: {  	v19 =	vadd.f32 v10, v63;
	v16 =	vadd.f32 v6, v62  }
.LBB2_14:
0xdf: {  	s0 =	sadd.s32 $0x1, s0  }
0xe0: {  	p1 =	sne.s32 s0, s31  }
.Ltmp7:
0xe1: {  	_ = 	snop;
	(pc) =	sbr.rel @!p1 .LBB2_15-.Ltmp7, $2  }
0xe2: {  	_ =	sdelay $0x2  }
0xe3: {  	s1 =	sadd.s32 $0x20, s1  }
.LBB2_10:
0xe4: {  	s11 =	sshll.u32 s0, $0x1  }
0xe5: {  	s25 =	sor.u32 s3, s11  }
0xe6: {  	s11 =	sshll.u32 s25, $0x4  }
0xe7: {  	v6 =	vor.u32 s11, v1;
	s4 =	sor.u32 $0x1, s11  }
0xe8: {  	v5 =	vmov s11;
	v7 =	vmov s4  }
0xe9: {  	s6 =	sor.u32 $0x2, s11;
	v7 =	vbroadcast v7, $0x0  }
0xea: {  	s7 =	sor.u32 $0x3, s11;
	v8 =	vmov s6  }
0xeb: {  	v9 =	vmov s7;
	s4 =	sor.u32 $0x5, s11;
	v8 =	vbroadcast v8, $0x0  }
0xec: {  	v9 =	vbroadcast v9, $0x0;
	v11 =	vmov s4;
	v24 =	vld.idx.msk [tilespmem:v6+s16+$0x0], $0xffff  }
0xed: {  	s6 =	sor.u32 $0x4, s11;
	v11 =	vbroadcast v11, $0x0;
	v5 =	vld.idx.msk [tilespmem:v5+s16+$0x0], $0xffff  }
0xee: {  	vm0 =	vcmask $0x3F04;
	s7 =	sor.u32 $0x7, s11;
	vm15 =	vlt.s32 v6, v4;
	v10 =	vmov s6;
	s6 =	sor.u32 $0x6, s11  }
0xef: {  	v14 =	vmov s7;
	s7 =	sor.u32 $0x8, s11;
	v12 =	vmov s6;
	v10 =	vbroadcast v10, $0x0;
	v6 =	vld.idx.msk [tilespmem:v7+s16+$0x0], $0xffff  }
0xf0: {  	v15 =	vmov s7;
	s6 =	sor.u32 $0x9, s11;
	s7 =	sor.u32 $0xA, s11;
	v14 =	vbroadcast v14, $0x0;
	v12 =	vbroadcast v12, $0x0  }
0xf1: {  	v17 =	vmov s6;
	v15 =	vbroadcast v15, $0x0;
	v18 =	vmov s7;
	s6 =	sor.u32 $0xB, s11;
	v7 =	vld.idx.msk [tilespmem:v8+s16+$0x0], $0xffff  }
0xf2: {  	v17 =	vbroadcast v17, $0x0;
	v20 =	vmov s6;
	v8 =	vld.idx.msk [tilespmem:v9+s16+$0x0], $0xffff;
	v21 =	vsub.f32 v24, v5  }
0xf3: {  	vm0 =	vmand vm15, vm0;
	v18 =	vbroadcast v18, $0x0;
	s6 =	sor.u32 $0xD, s11;
	v20 =	vbroadcast v20, $0x0;
	v11 =	vld.idx.msk [tilespmem:v11+s16+$0x0], $0xffff  }
0xf4: {  	s7 =	sor.u32 $0xC, s11;
	v22 =	vmov s6;
	v21 =	vand.u32 $0x7FFFFFFF, v21;
	v23 =	vsub.f32 v24, v6  }
0xf5: {  	v22 =	vbroadcast v22, $0x0;
	v9 =	vmov s7;
	v21 =	vsub.f32 $1.000000000e+00, v21  }
0xf6: {  	v25 =	vbroadcast v9, $0x0;
	v28 =	vsub.f32 v24, v7;
	v23 =	vand.u32 $0x7FFFFFFF, v23  }
0xf7: {  	v9 =	vld.idx.msk [tilespmem:v10+s16+$0x0], $0xffff;
	v52 =	vsub.f32 v24, v8;
	v10 =	vmax.f32 v21, $0.0e+00;
	v21 =	vsub.f32 $1.000000000e+00, v23  }
0xf8: {  	v53 =	vsub.f32 v24, v11;
	v10 =	vnsel vm15, $0x0, v10;
	v23 =	vand.u32 $0x7FFFFFFF, v28  }
0xf9: {  	v28 =	vand.u32 $0x7FFFFFFF, v52;
	v23 =	vsub.f32 $1.000000000e+00, v23;
	v21 =	vmax.f32 v21, $0.0e+00  }
0xfa: {  	v26 =	vadd.f32 v10, v26;
	v10 =	vld.idx.msk [tilespmem:v12+s16+$0x0], $0xffff;
	v28 =	vsub.f32 $1.000000000e+00, v28;
	v21 =	vnsel vm0, $0x0, v21  }
0xfb: {  	v12 =	vld.idx.msk [tilespmem:v14+s16+$0x0], $0xffff;
	v23 =	vmax.f32 v23, $0.0e+00;
	vm0 =	vmand vm15, vm1;
	v13 =	vadd.f32 v21, v13  }
0xfc: {  	v14 =	vnsel vm0, $0x0, v23;
	v23 =	vmax.f32 v28, $0.0e+00;
	vm0 =	vmand vm15, vm2  }
0xfd: {  	s7 =	sor.u32 $0xE, s11;
	v21 =	vsub.f32 v24, v9;
	v19 =	vadd.f32 v14, v19;
	v14 =	vnsel vm0, $0x0, v23  }
0xfe: {  	v27 =	vmov s7;
	v23 =	vand.u32 $0x7FFFFFFF, v53;
	v16 =	vadd.f32 v14, v16  }
0xff: {  	s11 =	sshllo.u32 s25, $0x4;
	v21 =	vand.u32 $0x7FFFFFFF, v21;
	v23 =	vsub.f32 $1.000000000e+00, v23;
	v29 =	vsub.f32 v24, v10  }
0x100: {  	v54 =	vmov s11;
	v14 =	vld.idx.msk [tilespmem:v15+s16+$0x0], $0xffff;
	v30 =	vsub.f32 v24, v12;
	v21 =	vsub.f32 $1.000000000e+00, v21  }
0x101: {  	v27 =	vbroadcast v27, $0x0;
	vm0 =	vmand vm15, vm3;
	v15 =	vld.idx.msk [tilespmem:v17+s16+$0x0], $0xffff;
	v23 =	vmax.f32 v23, $0.0e+00  }
0x102: {  	v17 =	vand.u32 $0x7FFFFFFF, v29;
	v30 =	vand.u32 $0x7FFFFFFF, v30;
	v21 =	vmax.f32 v21, $0.0e+00  }
0x103: {  	v29 =	vsub.f32 $1.000000000e+00, v17;
	v17 =	vld.idx.msk [tilespmem:v18+s16+$0x0], $0xffff;
	v21 =	vnsel vm0, $0x0, v21;
	vm0 =	vmand vm15, vm4  }
0x104: {  	v18 =	vld.idx.msk [tilespmem:v20+s16+$0x0], $0xffff;
	v26 =	vadd.f32 v21, v26;
	v21 =	vnsel vm0, $0x0, v23;
	v23 =	vsub.f32 $1.000000000e+00, v30  }
0x105: {  	v20 =	vld.idx.msk [tilespmem:v25+s16+$0x0], $0xffff;
	v29 =	vmax.f32 v29, $0.0e+00;
	vm0 =	vmand vm15, vm5;
	v55 =	vsub.f32 v24, v14  }
0x106: {  	v57 =	vsub.f32 v24, v15;
	v13 =	vadd.f32 v21, v13;
	v21 =	vnsel vm0, $0x0, v29  }
0x107: {  	vm0 =	vmand vm15, vm6;
	v23 =	vmax.f32 v23, $0.0e+00;
	v56 =	vand.u32 $0x7FFFFFFF, v55  }
0x108: {  	v19 =	vadd.f32 v21, v19;
	v21 =	vnsel vm0, $0x0, v23;
	v23 =	vsub.f32 $1.000000000e+00, v56  }
0x109: {  	v25 =	vand.u32 $0x7FFFFFFF, v57;
	v58 =	vsub.f32 v24, v17;
	v59 =	vsub.f32 v24, v18  }
0x10a: {  	vm0 =	vmand vm15, vm7;
	v31 =	vsub.f32 v24, v20;
	v16 =	vadd.f32 v21, v16  }
0x10b: {  	v21 =	vld.idx.msk [tilespmem:v22+s16+$0x0], $0xffff;
	v22 =	vmax.f32 v23, $0.0e+00;
	v23 =	vsub.f32 $1.000000000e+00, v25;
	v29 =	vand.u32 $0x7FFFFFFF, v58  }
0x10c: {  	v30 =	vand.u32 $0x7FFFFFFF, v59;
	v62 =	vand.u32 $0x7FFFFFFF, v31;
	v25 =	vnsel vm0, $0x0, v22  }
0x10d: {  	v22 =	vld.idx.msk [tilespmem:v27+s16+$0x0], $0xffff;
	vm0 =	vmand vm15, vm8;
	v27 =	vsub.f32 $1.000000000e+00, v29;
	v23 =	vmax.f32 v23, $0.0e+00  }
0x10e: {  	v61 =	vsub.f32 $1.000000000e+00, v30;
	v30 =	vsub.f32 $1.000000000e+00, v62;
	v60 =	vnsel vm0, $0x0, v23;
	v23 =	vld.idx.msk [tilespmem:v54+s16+$0x0], $0xffff  }
0x10f: {  	v25 =	vadd.f32 v25, v26;
	v27 =	vmax.f32 v27, $0.0e+00;
	vm0 =	vmand vm15, vm9  }
0x110: {  	v28 =	vmax.f32 v61, $0.0e+00;
	v30 =	vmax.f32 v30, $0.0e+00;
	v27 =	vnsel vm0, $0x0, v27  }
0x111: {  	v63 =	vsub.f32 v24, v21;
	vm0 =	vmand vm15, vm10;
	v13 =	vadd.f32 v60, v13  }
0x112: {  	v28 =	vnsel vm0, $0x0, v28;
	vm0 =	vmand vm15, vm11;
	v32 =	vsub.f32 v24, v22  }
0x113: {  	v19 =	vadd.f32 v27, v19;
	v31 =	vand.u32 $0x7FFFFFFF, v63;
	v24 =	vsub.f32 v24, v23  }
0x114: {  	s11 =	sadd.s32 $0x1, s25;
	v30 =	vnsel vm0, $0x0, v30;
	v31 =	vsub.f32 $1.000000000e+00, v31;
	v32 =	vand.u32 $0x7FFFFFFF, v32  }
0x115: {  	p1 =	sge.s32 s11, s30;
	vm0 =	vmand vm15, vm12;
	v32 =	vsub.f32 $1.000000000e+00, v32;
	v24 =	vand.u32 $0x7FFFFFFF, v24  }
.Ltmp8:
0x116: {  	v16 =	vadd.f32 v28, v16;
	v31 =	vmax.f32 v31, $0.0e+00;
	v24 =	vsub.f32 $1.000000000e+00, v24;
	(pc) =	sbr.rel @p1 .LBB2_14-.Ltmp8, $4  }
0x117: {  	v31 =	vnsel vm0, $0x0, v31;
	vm0 =	vmand vm15, vm13;
	v26 =	vmax.f32 v32, $0.0e+00  }
0x118: {  	v32 =	vnsel vm0, $0x0, v26;
	vm0 =	vmand vm15, vm14;
	v24 =	vmax.f32 v24, $0.0e+00  }
0x119: {  	v13 =	vadd.f32 v31, v13;
	v26 =	vadd.f32 v30, v25;
	v24 =	vnsel vm0, $0x0, v24  }
0x11a: {  	v19 =	vadd.f32 v32, v19;
	v16 =	vadd.f32 v24, v16  }
0x11b: {  	v24 =	vor.u32 s1, v1;
	_ =	sdelay $0x4  }
0x11c: {  	v25 =	vld.idx.msk [tilespmem:v24+s16+$0x0], $0xffff;
	_ =	sdelay $0x4  }
0x11d: {  	v24 =	vsub.f32 v25, v5  }
0x11e: {  	v27 =	vsub.f32 v25, v7;
	v28 =	vsub.f32 v25, v9  }
0x11f: {  	v30 =	vsub.f32 v25, v22;
	v33 =	vsub.f32 v25, v20  }
0x120: {  	v37 =	vsub.f32 v25, v17;
	v31 =	vsub.f32 v25, v15;
	v24 =	vand.u32 $0x7FFFFFFF, v24  }
0x121: {  	s25 =	sadd.s32 $0x1, s11;
	v36 =	vsub.f32 v25, v6;
	v29 =	vsub.f32 $1.000000000e+00, v24  }
0x122: {  	p1 =	slt.s32 s25, s30;
	v35 =	vsub.f32 v25, v14;
	v28 =	vand.u32 $0x7FFFFFFF, v28;
	v24 =	vand.u32 $0x7FFFFFFF, v27  }
.Ltmp9:
0x123: {  	v28 =	vsub.f32 $1.000000000e+00, v28;
	v27 =	vsub.f32 $1.000000000e+00, v24;
	v29 =	vmax.f32 v29, $0.0e+00;
	(pc) =	sbr.rel @!p1 .LBB2_13-.Ltmp9, $4  }
0x124: {  	v34 =	vand.u32 $0x7FFFFFFF, v33;
	v26 =	vadd.f32 v29, v26;
	v29 =	vsub.f32 v25, v21  }
0x125: {  	v33 =	vand.u32 $0x7FFFFFFF, v37;
	v24 =	vsub.f32 v25, v23;
	v28 =	vmax.f32 v28, $0.0e+00  }
0x126: {  	v27 =	vmax.f32 v27, $0.0e+00;
	v26 =	vadd.f32 v26, v28;
	v32 =	vand.u32 $0x7FFFFFFF, v29  }
0x127: {  	s11 =	smov.u32 s1;
	v28 =	vsub.f32 v25, v18;
	v29 =	vand.u32 $0x7FFFFFFF, v30;
	v30 =	vsub.f32 v25, v11  }
.LBB2_12:
0x128: {  	s25 =	sadd.s32 $0x1, s25;
	v36 =	vand.u32 $0x7FFFFFFF, v36;
	v34 =	vsub.f32 $1.000000000e+00, v34;
	v32 =	vsub.f32 $1.000000000e+00, v32;
	s11 =	sadd.s32 $0x10, s11  }
0x129: {  	v37 =	vsub.f32 v25, v8;
	v38 =	vsub.f32 v25, v12;
	v31 =	vand.u32 $0x7FFFFFFF, v31;
	p1 =	slt.s32 s25, s30  }
0x12a: {  	v35 =	vand.u32 $0x7FFFFFFF, v35;
	v33 =	vsub.f32 $1.000000000e+00, v33;
	v31 =	vsub.f32 $1.000000000e+00, v31  }
0x12b: {  	v25 =	vsub.f32 v25, v10;
	v37 =	vand.u32 $0x7FFFFFFF, v37;
	v38 =	vand.u32 $0x7FFFFFFF, v38  }
0x12c: {  	v39 =	vor.u32 s11, v1;
	v35 =	vsub.f32 $1.000000000e+00, v35;
	v31 =	vmax.f32 v31, $0.0e+00  }
0x12d: {  	v30 =	vand.u32 $0x7FFFFFFF, v30;
	v29 =	vsub.f32 $1.000000000e+00, v29;
	v25 =	vand.u32 $0x7FFFFFFF, v25  }
0x12e: {  	v37 =	vsub.f32 $1.000000000e+00, v37;
	v40 =	vsub.f32 $1.000000000e+00, v25;
	v35 =	vmax.f32 v35, $0.0e+00  }
0x12f: {  	v28 =	vand.u32 $0x7FFFFFFF, v28;
	v36 =	vsub.f32 $1.000000000e+00, v36;
	v30 =	vsub.f32 $1.000000000e+00, v30  }
0x130: {  	v19 =	vadd.f32 v27, v19;
	v34 =	vmax.f32 v34, $0.0e+00;
	v27 =	vmax.f32 v37, $0.0e+00  }
0x131: {  	v36 =	vmax.f32 v36, $0.0e+00;
	v30 =	vmax.f32 v30, $0.0e+00;
	v37 =	vsub.f32 $1.000000000e+00, v38;
	v25 =	vld.idx.msk [tilespmem:v39+s16+$0x0], $0xffff  }
0x132: {  	v28 =	vsub.f32 $1.000000000e+00, v28;
	v16 =	vadd.f32 v27, v16;
	v27 =	vmax.f32 v40, $0.0e+00  }
0x133: {  	v24 =	vand.u32 $0x7FFFFFFF, v24;
	v26 =	vadd.f32 v26, v35;
	v19 =	vadd.f32 v19, v27  }
0x134: {  	v24 =	vsub.f32 $1.000000000e+00, v24;
	v13 =	vadd.f32 v36, v13;
	v27 =	vmax.f32 v33, $0.0e+00  }
0x135: {  	v33 =	vmax.f32 v37, $0.0e+00;
	v19 =	vadd.f32 v19, v27;
	v27 =	vmax.f32 v32, $0.0e+00  }
0x136: {  	v13 =	vadd.f32 v13, v30;
	v26 =	vadd.f32 v26, v34;
	v30 =	vmax.f32 v24, $0.0e+00  }
0x137: {  	v29 =	vmax.f32 v29, $0.0e+00;
	v16 =	vadd.f32 v16, v33;
	v24 =	vsub.f32 v25, v5  }
0x138: {  	v28 =	vmax.f32 v28, $0.0e+00;
	v13 =	vadd.f32 v13, v31;
	v32 =	vsub.f32 v25, v7  }
0x139: {  	v16 =	vadd.f32 v16, v28;
	v31 =	vsub.f32 v25, v9;
	v24 =	vand.u32 $0x7FFFFFFF, v24  }
0x13a: {  	v13 =	vadd.f32 v13, v27;
	v28 =	vsub.f32 $1.000000000e+00, v24;
	v24 =	vand.u32 $0x7FFFFFFF, v32  }
0x13b: {  	v31 =	vand.u32 $0x7FFFFFFF, v31;
	v27 =	vsub.f32 $1.000000000e+00, v24;
	v24 =	vsub.f32 v25, v23  }
0x13c: {  	v33 =	vsub.f32 v25, v22;
	v31 =	vsub.f32 $1.000000000e+00, v31;
	v28 =	vmax.f32 v28, $0.0e+00  }
0x13d: {  	v26 =	vadd.f32 v28, v26;
	v27 =	vmax.f32 v27, $0.0e+00;
	v28 =	vsub.f32 v25, v21  }
.Ltmp10:
0x13e: {  	v37 =	vsub.f32 v25, v17;
	v34 =	vsub.f32 v25, v20;
	v31 =	vmax.f32 v31, $0.0e+00;
	(pc) =	sbr.rel @p1 .LBB2_12-.Ltmp10, $4  }
0x13f: {  	v19 =	vadd.f32 v19, v29;
	v26 =	vadd.f32 v26, v31;
	v32 =	vand.u32 $0x7FFFFFFF, v28  }
0x140: {  	v16 =	vadd.f32 v16, v30;
	v34 =	vand.u32 $0x7FFFFFFF, v34;
	v31 =	vsub.f32 v25, v15  }
0x141: {  	v36 =	vsub.f32 v25, v6;
	v29 =	vand.u32 $0x7FFFFFFF, v33;
	v28 =	vsub.f32 v25, v18  }
0x142: {  	v30 =	vsub.f32 v25, v11;
	v35 =	vsub.f32 v25, v14;
	v33 =	vand.u32 $0x7FFFFFFF, v37  }
.Ltmp11:
0x143: {  	_ = 	snop;
	(pc) =	sbr.rel .LBB2_13-.Ltmp11, $1  }
0x144: {  	_ =	sdelay $0x3  }
.LBB2_8:
.Ltmp12:
0x145: {  	(pc) =	sbr.rel .LBB2_16-.Ltmp12, $2  }
0x146: {  	_ =	sdelay $0x2  }
0x147: {  	v4 =	vimm.f32 $0.0e+00  }
.LBB2_17:
0x148: {  	_ =	sfence.sel $0x180000  }
0x149: {  	[bflag:$0x0] =	sbarrier.arrive $0xFFFF  }
0x14a: {  	_ =	strace $0x90000047  }
0x14b: {  	s0 =	stileid.u32;
	[bflag:$0x2] =	sbarrier.arrive $0xFFFF  }
0x14c: {  	p0 =	sne.s32 s0, $0x0;
	s0 =	rddreg [dreg:$0x4]  }
0x14d: {  	s0 =	sadd.s32 @!p0 $0x100000, s0  }
0x14e: {  	[sflag:s0] =	ssyncadd.tile.s32 @!p0 $0x1;
	_ =	shalt  }
.Lfunc_end2:
_tile_overlayer_lowered:
.L_overlay_start_2:
0x14f: {  	(tag) =	ssettag $0x2  }
0x150: {  	s0 =	rddreg [dreg:$0x0];
	s2 =	stileid.u32  }
0x151: {  	s1 =	rddreg [dreg:$0x1];
	p0 =	sne.s32 s2, $0x0  }
0x152: {  	s3 =	rddreg [dreg:$0x2];
	[bflag:$0x3] =	sbarrier.arrive $0xFFFF;
	s2 =	simm.s32 @!p0 $0x1C03  }
0x153: {  	[timem:s3], [sflag:s2] =	dma.local @!p0 [hbm:s0], s1  }
0x154: {  	s0 =	simm.s32 @!p0 $0x3  }
0x155: {  	_ =	swait.ge @!p0 [sflag:s0], s1  }
0x156: {  	s1 =	ssub.s32 @!p0 $0x0, s1;
	[sflag:s0] =	ssyncset.done @!p0 $0x0  }
0x157: {  	[sflag:s0] =	ssyncadd.s32 @!p0 s1  }
0x158: {  	[bflag:$0x3] =	sbarrier.arrive $0xFFFF  }
0x159: {  	_ =	shalt  }

</sc_bundles>
